<compile_context>
chip_gen: v7x
topology: tpu7x:2x2x1
jax: 0.10.2.dev20260603
libtpu: 0.0.44.dev20260713+nightly
codegen_flags: <defaults>
</compile_context>

<pallas_src>
import functools

import jax
import jax.numpy as jnp
from jax import lax
from jax.experimental import pallas as pl
from jax.experimental.pallas import tpu as pltpu
from jax.experimental.pallas import tpu_sc as plsc

NUM_CORES = 2
NUM_SUBCORES = 16
NUM_WORKERS = NUM_CORES * NUM_SUBCORES
NBUF = 10


def _gather_rows(table, idx_t, n_batch, seq):
    D = table.shape[1]
    bw = n_batch // NUM_WORKERS
    n_rounds = seq // (NBUF // 2)
    mesh = plsc.VectorSubcoreMesh(core_axis_name="c", subcore_axis_name="s")

    half = bw // 2
    sems = [pltpu.SemaphoreType.DMA] * (2 * NBUF)

    @functools.partial(
        pl.kernel,
        mesh=mesh,
        out_type=jax.ShapeDtypeStruct((seq, n_batch, D), jnp.float32),
        scratch_types=[
            pltpu.VMEM((seq, bw), jnp.int32),
            pltpu.VMEM((NBUF, half, D), jnp.float32),
        ] + sems,
    )
    def k(idx_hbm, table_hbm, out_hbm, idx_v, rows, *sems):
        gsem = sems[:NBUF]
        osem = sems[NBUF:]
        wid = lax.axis_index("s") * NUM_CORES + lax.axis_index("c")
        base_b = wid * bw

        pltpu.sync_copy(idx_hbm.at[:, pl.ds(base_b, bw)], idx_v)

        @pl.loop(0, n_rounds)
        def _(r):
            s0 = r * (NBUF // 2)
            gathers = []
            for b in range(NBUF):
                s = s0 + b // 2
                h = b % 2
                @pl.when(r > 0)
                def _(b=b):
                    pltpu.make_async_copy(
                        rows.at[b], out_hbm.at[0, pl.ds(base_b, half)],
                        osem[b]).wait()
                gathers.append(
                    pltpu.async_copy(
                        table_hbm.at[idx_v.at[s, pl.ds(h * half, half)]],
                        rows.at[b], gsem[b]))
            for b in range(NBUF):
                gathers[b].wait()
                s = s0 + b // 2
                h = b % 2
                pltpu.async_copy(
                    rows.at[b],
                    out_hbm.at[s, pl.ds(base_b + h * half, half)],
                    osem[b])

        for b in range(NBUF):
            pltpu.make_async_copy(rows.at[b], out_hbm.at[0, pl.ds(base_b, half)],
                                  osem[b]).wait()

    return k(idx_t, table)


@jax.jit
def kernel(x, weight):
    n_batch, seq = x.shape
    idx_t = x.astype(jnp.int32).T
    out_t = _gather_rows(weight, idx_t, n_batch, seq)
    return out_t.transpose(1, 0, 2)

# --- scband reference (transcript-rebuilt; emitter-appended) ---
"""Pipeline reference for scband-model-49246095016307 (READ-ONLY COPY).

The authoritative reference and input builder live on the scoring server;
editing this copy changes nothing except your own understanding.
"""

import jax, jax.numpy as jnp
import numpy as np

NUM_EMBEDDINGS = 100000
EMBEDDING_DIM = 128

def setup_inputs(seed: int = 0) -> dict:
    key = jax.random.key(seed)
    k1, k2 = jax.random.split(key)
    x = jax.random.randint(k1, (4096, 50), 0, NUM_EMBEDDINGS, dtype=jnp.int64 if jax.config.jax_enable_x64 else jnp.int32)
    weight = jax.random.normal(k2, (NUM_EMBEDDINGS, EMBEDDING_DIM), dtype=jnp.float32)
    return {"x": x, "weight": weight}

def reference(x, weight):
    # torch.nn.Embedding forward: simple row gather from the weight table.
    # padding_idx=None and norm_type only affects max_norm renorm (max_norm=None here),
    # so forward is a pure gather.
    return jnp.take(weight, x, axis=0)

if __name__ == "__main__":
    import jax
    _d = setup_inputs()
    print(jax.jit(kernel)(*tuple(_d.values())))

</pallas_src>

<mosaic_0001>
#map = affine_map<(d0, d1) -> (0, 0)>
#map1 = affine_map<(d0, d1) -> (0, 0, 0)>
module attributes {stable_mosaic.version = 14 : i64} {
  func.func @k(%arg0: i32, %arg1: i32, %arg2: memref<50x4096xi32, #tpu.memory_space<hbm>>, %arg3: memref<100000x128xf32, #tpu.memory_space<hbm>>, %arg4: memref<50x4096x128xf32, #tpu.memory_space<hbm>>, %arg5: memref<50x128xi32, #tpu.memory_space<vmem>>, %arg6: memref<10x64x128xf32, #tpu.memory_space<vmem>>, %arg7: memref<!tpu.dma_semaphore, #tpu.memory_space<semaphore_mem>>, %arg8: memref<!tpu.dma_semaphore, #tpu.memory_space<semaphore_mem>>, %arg9: memref<!tpu.dma_semaphore, #tpu.memory_space<semaphore_mem>>, %arg10: memref<!tpu.dma_semaphore, #tpu.memory_space<semaphore_mem>>, %arg11: memref<!tpu.dma_semaphore, #tpu.memory_space<semaphore_mem>>, %arg12: memref<!tpu.dma_semaphore, #tpu.memory_space<semaphore_mem>>, %arg13: memref<!tpu.dma_semaphore, #tpu.memory_space<semaphore_mem>>, %arg14: memref<!tpu.dma_semaphore, #tpu.memory_space<semaphore_mem>>, %arg15: memref<!tpu.dma_semaphore, #tpu.memory_space<semaphore_mem>>, %arg16: memref<!tpu.dma_semaphore, #tpu.memory_space<semaphore_mem>>, %arg17: memref<!tpu.dma_semaphore, #tpu.memory_space<semaphore_mem>>, %arg18: memref<!tpu.dma_semaphore, #tpu.memory_space<semaphore_mem>>, %arg19: memref<!tpu.dma_semaphore, #tpu.memory_space<semaphore_mem>>, %arg20: memref<!tpu.dma_semaphore, #tpu.memory_space<semaphore_mem>>, %arg21: memref<!tpu.dma_semaphore, #tpu.memory_space<semaphore_mem>>, %arg22: memref<!tpu.dma_semaphore, #tpu.memory_space<semaphore_mem>>, %arg23: memref<!tpu.dma_semaphore, #tpu.memory_space<semaphore_mem>>, %arg24: memref<!tpu.dma_semaphore, #tpu.memory_space<semaphore_mem>>, %arg25: memref<!tpu.dma_semaphore, #tpu.memory_space<semaphore_mem>>, %arg26: memref<!tpu.dma_semaphore, #tpu.memory_space<semaphore_mem>>) attributes {dimension_semantics = [#tpu.dimension_semantics<core_parallel>, #tpu.dimension_semantics<subcore_parallel>], iteration_bounds = array<i64: 2, 16>, scalar_prefetch = 0 : i64, scratch_operands = 22 : i64, tpu.core_type = #tpu.core_type<sc_vector_subcore>, window_params = [{transform_indices = #map}, {transform_indices = #map}, {transform_indices = #map1}]} {
    %mul3A = arith.constant 2 : i32
    %mul3A_0 = arith.muli %arg1, %mul3A : i32
    %add3A = arith.addi %mul3A_0, %arg0 : i32
    %mul3A_1 = arith.constant 128 : i32
    %mul3A_2 = arith.muli %add3A, %mul3A_1 : i32
    "tpu.region"() ({
      %run_scoped3A = tpu.sem_alloc : memref<!tpu.dma_semaphore, #tpu.memory_space<semaphore_mem>>
      %dma_start3A = arith.constant 0 : i32
      %dma_start3A_166 = tpu.memref_slice %arg2[%dma_start3A, %mul3A_2] : memref<50x4096xi32, #tpu.memory_space<hbm>> -> memref<50x128xi32, #tpu.memory_space<hbm>>
      %dma_start3A_167 = arith.constant 0 : i32
      %dma_start3A_168 = tpu.memref_slice %arg2[%dma_start3A_167, %mul3A_2] : memref<50x4096xi32, #tpu.memory_space<hbm>> -> memref<50x128xi32, #tpu.memory_space<hbm>>
      tpu.enqueue_dma source(%dma_start3A_168 : memref<50x128xi32, #tpu.memory_space<hbm>>) target(%arg5 : memref<50x128xi32, #tpu.memory_space<vmem>>) target_semaphore(%run_scoped3A : memref<!tpu.dma_semaphore, #tpu.memory_space<semaphore_mem>>)
      %dma_wait3A_169 = arith.constant 0 : i32
      %dma_wait3A_170 = tpu.memref_slice %arg2[%dma_wait3A_169, %mul3A_2] : memref<50x4096xi32, #tpu.memory_space<hbm>> -> memref<50x128xi32, #tpu.memory_space<hbm>>
      %dma_wait3A_171 = arith.constant 0 : i32
      %dma_wait3A_172 = tpu.memref_slice %arg2[%dma_wait3A_171, %mul3A_2] : memref<50x4096xi32, #tpu.memory_space<hbm>> -> memref<50x128xi32, #tpu.memory_space<hbm>>
      tpu.wait_dma2 semaphore(%run_scoped3A : memref<!tpu.dma_semaphore, #tpu.memory_space<semaphore_mem>>) src(%dma_wait3A_172 : memref<50x128xi32, #tpu.memory_space<hbm>>) dst(%arg5 : memref<50x128xi32, #tpu.memory_space<vmem>>)
      tpu.yield
    }) : () -> ()
    %scan3A = arith.constant 0 : i32
    %scan3A_3 = arith.constant 10 : i32
    %scan3A_4 = arith.addi %scan3A, %scan3A_3 : i32
    %scan3A_5 = arith.constant 1 : i32
    scf.for %scan3A_166 = %scan3A to %scan3A_4 step %scan3A_5  : i32 {
      %mul3A_167 = arith.constant 1 : i32
      %mul3A_168 = arith.muli %scan3A_166, %mul3A_167 : i32
      %add3A_169 = arith.constant 0 : i32
      %add3A_170 = arith.addi %add3A_169, %mul3A_168 : i32
      %mul3A_171 = arith.constant 5 : i32
      %mul3A_172 = arith.muli %add3A_170, %mul3A_171 : i32
      %add3A_173 = arith.constant 0 : i32
      %add3A_174 = arith.addi %mul3A_172, %add3A_173 : i32
      %gt3A = arith.constant 0 : i32
      %gt3A_175 = arith.cmpi sgt, %add3A_170, %gt3A : i32
      %convert_element_type3A = arith.extui %gt3A_175 : i1 to i32
      %cond3A = arith.constant 0 : i32
      %cond3A_176 = arith.cmpi ne, %convert_element_type3A, %cond3A : i32
      scf.if %cond3A_176 {
        %dma_wait3A_649 = arith.constant 0 : i32
        %dma_wait3A_650 = arith.constant 0 : i32
        %dma_wait3A_651 = arith.constant 0 : i32
        %dma_wait3A_652 = arith.constant 0 : i32
        %dma_wait3A_653 = tpu.memref_slice %arg6[%dma_wait3A_649, %dma_wait3A_651, %dma_wait3A_652] : memref<10x64x128xf32, #tpu.memory_space<vmem>> -> memref<1x64x128xf32, #tpu.memory_space<vmem>>
        %dma_wait3A_654 = tpu.memref_squeeze %dma_wait3A_653 : memref<1x64x128xf32, #tpu.memory_space<vmem>> -> memref<64x128xf32, #tpu.memory_space<vmem>>
        %dma_wait3A_655 = arith.constant 0 : i32
        %dma_wait3A_656 = tpu.memref_slice %arg4[%dma_wait3A_650, %mul3A_2, %dma_wait3A_655] : memref<50x4096x128xf32, #tpu.memory_space<hbm>> -> memref<1x64x128xf32, #tpu.memory_space<hbm>>
        %dma_wait3A_657 = tpu.memref_squeeze %dma_wait3A_656 : memref<1x64x128xf32, #tpu.memory_space<hbm>> -> memref<64x128xf32, #tpu.memory_space<hbm>>
        %dma_wait3A_658 = arith.constant 0 : i32
        %dma_wait3A_659 = tpu.memref_slice %arg4[%dma_wait3A_650, %mul3A_2, %dma_wait3A_658] : memref<50x4096x128xf32, #tpu.memory_space<hbm>> -> memref<1x64x128xf32, #tpu.memory_space<hbm>>
        %dma_wait3A_660 = tpu.memref_squeeze %dma_wait3A_659 : memref<1x64x128xf32, #tpu.memory_space<hbm>> -> memref<64x128xf32, #tpu.memory_space<hbm>>
        %dma_wait3A_661 = arith.constant 0 : i32
        %dma_wait3A_662 = arith.constant 0 : i32
        %dma_wait3A_663 = tpu.memref_slice %arg6[%dma_wait3A_649, %dma_wait3A_661, %dma_wait3A_662] : memref<10x64x128xf32, #tpu.memory_space<vmem>> -> memref<1x64x128xf32, #tpu.memory_space<vmem>>
        %dma_wait3A_664 = tpu.memref_squeeze %dma_wait3A_663 : memref<1x64x128xf32, #tpu.memory_space<vmem>> -> memref<64x128xf32, #tpu.memory_space<vmem>>
        tpu.wait_dma2 semaphore(%arg17 : memref<!tpu.dma_semaphore, #tpu.memory_space<semaphore_mem>>) src(%dma_wait3A_664 : memref<64x128xf32, #tpu.memory_space<vmem>>) dst(%dma_wait3A_660 : memref<64x128xf32, #tpu.memory_space<hbm>>)
      } else {
      }
      %dma_start3A = arith.constant 0 : i32
      %dma_start3A_177 = arith.constant 0 : i32
      %dma_start3A_178 = arith.constant 0 : i32
      %dma_start3A_179 = tpu.memref_slice %arg6[%dma_start3A, %dma_start3A_177, %dma_start3A_178] : memref<10x64x128xf32, #tpu.memory_space<vmem>> -> memref<1x64x128xf32, #tpu.memory_space<vmem>>
      %dma_start3A_180 = tpu.memref_squeeze %dma_start3A_179 : memref<1x64x128xf32, #tpu.memory_space<vmem>> -> memref<64x128xf32, #tpu.memory_space<vmem>>
      %dma_start3A_181 = arith.constant 0 : i32
      %dma_start3A_182 = tpu.memref_slice %arg5[%add3A_174, %dma_start3A_181] : memref<50x128xi32, #tpu.memory_space<vmem>> -> memref<1x64xi32, #tpu.memory_space<vmem>>
      %dma_start3A_183 = tpu.memref_squeeze %dma_start3A_182 : memref<1x64xi32, #tpu.memory_space<vmem>> -> memref<64xi32, #tpu.memory_space<vmem>>
      %dma_start3A_184 = arith.constant 0 : i32
      %dma_start3A_185 = arith.constant 0 : i32
      %dma_start3A_186 = tpu.memref_slice %arg3[%dma_start3A_184, %dma_start3A_185] : memref<100000x128xf32, #tpu.memory_space<hbm>> -> memref<100000x128xf32, #tpu.memory_space<hbm>>
      tpu.enqueue_indirect_dma source(%dma_start3A_186 : memref<100000x128xf32, #tpu.memory_space<hbm>>) target(%dma_start3A_180 : memref<64x128xf32, #tpu.memory_space<vmem>>) offsets(%dma_start3A_183 : memref<64xi32, #tpu.memory_space<vmem>>) semaphore(%arg7 : memref<!tpu.dma_semaphore, #tpu.memory_space<semaphore_mem>>)
      %add3A_187 = arith.constant 0 : i32
      %add3A_188 = arith.addi %mul3A_172, %add3A_187 : i32
      %gt3A_189 = arith.constant 0 : i32
      %gt3A_190 = arith.cmpi sgt, %add3A_170, %gt3A_189 : i32
      %convert_element_type3A_191 = arith.extui %gt3A_190 : i1 to i32
      %cond3A_192 = arith.constant 0 : i32
      %cond3A_193 = arith.cmpi ne, %convert_element_type3A_191, %cond3A_192 : i32
      scf.if %cond3A_193 {
        %dma_wait3A_649 = arith.constant 1 : i32
        %dma_wait3A_650 = arith.constant 0 : i32
        %dma_wait3A_651 = arith.constant 0 : i32
        %dma_wait3A_652 = arith.constant 0 : i32
        %dma_wait3A_653 = tpu.memref_slice %arg6[%dma_wait3A_649, %dma_wait3A_651, %dma_wait3A_652] : memref<10x64x128xf32, #tpu.memory_space<vmem>> -> memref<1x64x128xf32, #tpu.memory_space<vmem>>
        %dma_wait3A_654 = tpu.memref_squeeze %dma_wait3A_653 : memref<1x64x128xf32, #tpu.memory_space<vmem>> -> memref<64x128xf32, #tpu.memory_space<vmem>>
        %dma_wait3A_655 = arith.constant 0 : i32
        %dma_wait3A_656 = tpu.memref_slice %arg4[%dma_wait3A_650, %mul3A_2, %dma_wait3A_655] : memref<50x4096x128xf32, #tpu.memory_space<hbm>> -> memref<1x64x128xf32, #tpu.memory_space<hbm>>
        %dma_wait3A_657 = tpu.memref_squeeze %dma_wait3A_656 : memref<1x64x128xf32, #tpu.memory_space<hbm>> -> memref<64x128xf32, #tpu.memory_space<hbm>>
        %dma_wait3A_658 = arith.constant 0 : i32
        %dma_wait3A_659 = tpu.memref_slice %arg4[%dma_wait3A_650, %mul3A_2, %dma_wait3A_658] : memref<50x4096x128xf32, #tpu.memory_space<hbm>> -> memref<1x64x128xf32, #tpu.memory_space<hbm>>
        %dma_wait3A_660 = tpu.memref_squeeze %dma_wait3A_659 : memref<1x64x128xf32, #tpu.memory_space<hbm>> -> memref<64x128xf32, #tpu.memory_space<hbm>>
        %dma_wait3A_661 = arith.constant 0 : i32
        %dma_wait3A_662 = arith.constant 0 : i32
        %dma_wait3A_663 = tpu.memref_slice %arg6[%dma_wait3A_649, %dma_wait3A_661, %dma_wait3A_662] : memref<10x64x128xf32, #tpu.memory_space<vmem>> -> memref<1x64x128xf32, #tpu.memory_space<vmem>>
        %dma_wait3A_664 = tpu.memref_squeeze %dma_wait3A_663 : memref<1x64x128xf32, #tpu.memory_space<vmem>> -> memref<64x128xf32, #tpu.memory_space<vmem>>
        tpu.wait_dma2 semaphore(%arg18 : memref<!tpu.dma_semaphore, #tpu.memory_space<semaphore_mem>>) src(%dma_wait3A_664 : memref<64x128xf32, #tpu.memory_space<vmem>>) dst(%dma_wait3A_660 : memref<64x128xf32, #tpu.memory_space<hbm>>)
      } else {
      }
      %dma_start3A_194 = arith.constant 1 : i32
      %dma_start3A_195 = arith.constant 0 : i32
      %dma_start3A_196 = arith.constant 0 : i32
      %dma_start3A_197 = tpu.memref_slice %arg6[%dma_start3A_194, %dma_start3A_195, %dma_start3A_196] : memref<10x64x128xf32, #tpu.memory_space<vmem>> -> memref<1x64x128xf32, #tpu.memory_space<vmem>>
      %dma_start3A_198 = tpu.memref_squeeze %dma_start3A_197 : memref<1x64x128xf32, #tpu.memory_space<vmem>> -> memref<64x128xf32, #tpu.memory_space<vmem>>
      %dma_start3A_199 = arith.constant 64 : i32
      %dma_start3A_200 = tpu.memref_slice %arg5[%add3A_188, %dma_start3A_199] : memref<50x128xi32, #tpu.memory_space<vmem>> -> memref<1x64xi32, #tpu.memory_space<vmem>>
      %dma_start3A_201 = tpu.memref_squeeze %dma_start3A_200 : memref<1x64xi32, #tpu.memory_space<vmem>> -> memref<64xi32, #tpu.memory_space<vmem>>
      %dma_start3A_202 = arith.constant 0 : i32
      %dma_start3A_203 = arith.constant 0 : i32
      %dma_start3A_204 = tpu.memref_slice %arg3[%dma_start3A_202, %dma_start3A_203] : memref<100000x128xf32, #tpu.memory_space<hbm>> -> memref<100000x128xf32, #tpu.memory_space<hbm>>
      tpu.enqueue_indirect_dma source(%dma_start3A_204 : memref<100000x128xf32, #tpu.memory_space<hbm>>) target(%dma_start3A_198 : memref<64x128xf32, #tpu.memory_space<vmem>>) offsets(%dma_start3A_201 : memref<64xi32, #tpu.memory_space<vmem>>) semaphore(%arg8 : memref<!tpu.dma_semaphore, #tpu.memory_space<semaphore_mem>>)
      %add3A_205 = arith.constant 1 : i32
      %add3A_206 = arith.addi %mul3A_172, %add3A_205 : i32
      %gt3A_207 = arith.constant 0 : i32
      %gt3A_208 = arith.cmpi sgt, %add3A_170, %gt3A_207 : i32
      %convert_element_type3A_209 = arith.extui %gt3A_208 : i1 to i32
      %cond3A_210 = arith.constant 0 : i32
      %cond3A_211 = arith.cmpi ne, %convert_element_type3A_209, %cond3A_210 : i32
      scf.if %cond3A_211 {
        %dma_wait3A_649 = arith.constant 2 : i32
        %dma_wait3A_650 = arith.constant 0 : i32
        %dma_wait3A_651 = arith.constant 0 : i32
        %dma_wait3A_652 = arith.constant 0 : i32
        %dma_wait3A_653 = tpu.memref_slice %arg6[%dma_wait3A_649, %dma_wait3A_651, %dma_wait3A_652] : memref<10x64x128xf32, #tpu.memory_space<vmem>> -> memref<1x64x128xf32, #tpu.memory_space<vmem>>
        %dma_wait3A_654 = tpu.memref_squeeze %dma_wait3A_653 : memref<1x64x128xf32, #tpu.memory_space<vmem>> -> memref<64x128xf32, #tpu.memory_space<vmem>>
        %dma_wait3A_655 = arith.constant 0 : i32
        %dma_wait3A_656 = tpu.memref_slice %arg4[%dma_wait3A_650, %mul3A_2, %dma_wait3A_655] : memref<50x4096x128xf32, #tpu.memory_space<hbm>> -> memref<1x64x128xf32, #tpu.memory_space<hbm>>
        %dma_wait3A_657 = tpu.memref_squeeze %dma_wait3A_656 : memref<1x64x128xf32, #tpu.memory_space<hbm>> -> memref<64x128xf32, #tpu.memory_space<hbm>>
        %dma_wait3A_658 = arith.constant 0 : i32
        %dma_wait3A_659 = tpu.memref_slice %arg4[%dma_wait3A_650, %mul3A_2, %dma_wait3A_658] : memref<50x4096x128xf32, #tpu.memory_space<hbm>> -> memref<1x64x128xf32, #tpu.memory_space<hbm>>
        %dma_wait3A_660 = tpu.memref_squeeze %dma_wait3A_659 : memref<1x64x128xf32, #tpu.memory_space<hbm>> -> memref<64x128xf32, #tpu.memory_space<hbm>>
        %dma_wait3A_661 = arith.constant 0 : i32
        %dma_wait3A_662 = arith.constant 0 : i32
        %dma_wait3A_663 = tpu.memref_slice %arg6[%dma_wait3A_649, %dma_wait3A_661, %dma_wait3A_662] : memref<10x64x128xf32, #tpu.memory_space<vmem>> -> memref<1x64x128xf32, #tpu.memory_space<vmem>>
        %dma_wait3A_664 = tpu.memref_squeeze %dma_wait3A_663 : memref<1x64x128xf32, #tpu.memory_space<vmem>> -> memref<64x128xf32, #tpu.memory_space<vmem>>
        tpu.wait_dma2 semaphore(%arg19 : memref<!tpu.dma_semaphore, #tpu.memory_space<semaphore_mem>>) src(%dma_wait3A_664 : memref<64x128xf32, #tpu.memory_space<vmem>>) dst(%dma_wait3A_660 : memref<64x128xf32, #tpu.memory_space<hbm>>)
      } else {
      }
      %dma_start3A_212 = arith.constant 2 : i32
      %dma_start3A_213 = arith.constant 0 : i32
      %dma_start3A_214 = arith.constant 0 : i32
      %dma_start3A_215 = tpu.memref_slice %arg6[%dma_start3A_212, %dma_start3A_213, %dma_start3A_214] : memref<10x64x128xf32, #tpu.memory_space<vmem>> -> memref<1x64x128xf32, #tpu.memory_space<vmem>>
      %dma_start3A_216 = tpu.memref_squeeze %dma_start3A_215 : memref<1x64x128xf32, #tpu.memory_space<vmem>> -> memref<64x128xf32, #tpu.memory_space<vmem>>
      %dma_start3A_217 = arith.constant 0 : i32
      %dma_start3A_218 = tpu.memref_slice %arg5[%add3A_206, %dma_start3A_217] : memref<50x128xi32, #tpu.memory_space<vmem>> -> memref<1x64xi32, #tpu.memory_space<vmem>>
      %dma_start3A_219 = tpu.memref_squeeze %dma_start3A_218 : memref<1x64xi32, #tpu.memory_space<vmem>> -> memref<64xi32, #tpu.memory_space<vmem>>
      %dma_start3A_220 = arith.constant 0 : i32
      %dma_start3A_221 = arith.constant 0 : i32
      %dma_start3A_222 = tpu.memref_slice %arg3[%dma_start3A_220, %dma_start3A_221] : memref<100000x128xf32, #tpu.memory_space<hbm>> -> memref<100000x128xf32, #tpu.memory_space<hbm>>
      tpu.enqueue_indirect_dma source(%dma_start3A_222 : memref<100000x128xf32, #tpu.memory_space<hbm>>) target(%dma_start3A_216 : memref<64x128xf32, #tpu.memory_space<vmem>>) offsets(%dma_start3A_219 : memref<64xi32, #tpu.memory_space<vmem>>) semaphore(%arg9 : memref<!tpu.dma_semaphore, #tpu.memory_space<semaphore_mem>>)
      %add3A_223 = arith.constant 1 : i32
      %add3A_224 = arith.addi %mul3A_172, %add3A_223 : i32
      %gt3A_225 = arith.constant 0 : i32
      %gt3A_226 = arith.cmpi sgt, %add3A_170, %gt3A_225 : i32
      %convert_element_type3A_227 = arith.extui %gt3A_226 : i1 to i32
      %cond3A_228 = arith.constant 0 : i32
      %cond3A_229 = arith.cmpi ne, %convert_element_type3A_227, %cond3A_228 : i32
      scf.if %cond3A_229 {
        %dma_wait3A_649 = arith.constant 3 : i32
        %dma_wait3A_650 = arith.constant 0 : i32
        %dma_wait3A_651 = arith.constant 0 : i32
        %dma_wait3A_652 = arith.constant 0 : i32
        %dma_wait3A_653 = tpu.memref_slice %arg6[%dma_wait3A_649, %dma_wait3A_651, %dma_wait3A_652] : memref<10x64x128xf32, #tpu.memory_space<vmem>> -> memref<1x64x128xf32, #tpu.memory_space<vmem>>
        %dma_wait3A_654 = tpu.memref_squeeze %dma_wait3A_653 : memref<1x64x128xf32, #tpu.memory_space<vmem>> -> memref<64x128xf32, #tpu.memory_space<vmem>>
        %dma_wait3A_655 = arith.constant 0 : i32
        %dma_wait3A_656 = tpu.memref_slice %arg4[%dma_wait3A_650, %mul3A_2, %dma_wait3A_655] : memref<50x4096x128xf32, #tpu.memory_space<hbm>> -> memref<1x64x128xf32, #tpu.memory_space<hbm>>
        %dma_wait3A_657 = tpu.memref_squeeze %dma_wait3A_656 : memref<1x64x128xf32, #tpu.memory_space<hbm>> -> memref<64x128xf32, #tpu.memory_space<hbm>>
        %dma_wait3A_658 = arith.constant 0 : i32
        %dma_wait3A_659 = tpu.memref_slice %arg4[%dma_wait3A_650, %mul3A_2, %dma_wait3A_658] : memref<50x4096x128xf32, #tpu.memory_space<hbm>> -> memref<1x64x128xf32, #tpu.memory_space<hbm>>
        %dma_wait3A_660 = tpu.memref_squeeze %dma_wait3A_659 : memref<1x64x128xf32, #tpu.memory_space<hbm>> -> memref<64x128xf32, #tpu.memory_space<hbm>>
        %dma_wait3A_661 = arith.constant 0 : i32
        %dma_wait3A_662 = arith.constant 0 : i32
        %dma_wait3A_663 = tpu.memref_slice %arg6[%dma_wait3A_649, %dma_wait3A_661, %dma_wait3A_662] : memref<10x64x128xf32, #tpu.memory_space<vmem>> -> memref<1x64x128xf32, #tpu.memory_space<vmem>>
        %dma_wait3A_664 = tpu.memref_squeeze %dma_wait3A_663 : memref<1x64x128xf32, #tpu.memory_space<vmem>> -> memref<64x128xf32, #tpu.memory_space<vmem>>
        tpu.wait_dma2 semaphore(%arg20 : memref<!tpu.dma_semaphore, #tpu.memory_space<semaphore_mem>>) src(%dma_wait3A_664 : memref<64x128xf32, #tpu.memory_space<vmem>>) dst(%dma_wait3A_660 : memref<64x128xf32, #tpu.memory_space<hbm>>)
      } else {
      }
      %dma_start3A_230 = arith.constant 3 : i32
      %dma_start3A_231 = arith.constant 0 : i32
      %dma_start3A_232 = arith.constant 0 : i32
      %dma_start3A_233 = tpu.memref_slice %arg6[%dma_start3A_230, %dma_start3A_231, %dma_start3A_232] : memref<10x64x128xf32, #tpu.memory_space<vmem>> -> memref<1x64x128xf32, #tpu.memory_space<vmem>>
      %dma_start3A_234 = tpu.memref_squeeze %dma_start3A_233 : memref<1x64x128xf32, #tpu.memory_space<vmem>> -> memref<64x128xf32, #tpu.memory_space<vmem>>
      %dma_start3A_235 = arith.constant 64 : i32
      %dma_start3A_236 = tpu.memref_slice %arg5[%add3A_224, %dma_start3A_235] : memref<50x128xi32, #tpu.memory_space<vmem>> -> memref<1x64xi32, #tpu.memory_space<vmem>>
      %dma_start3A_237 = tpu.memref_squeeze %dma_start3A_236 : memref<1x64xi32, #tpu.memory_space<vmem>> -> memref<64xi32, #tpu.memory_space<vmem>>
      %dma_start3A_238 = arith.constant 0 : i32
      %dma_start3A_239 = arith.constant 0 : i32
      %dma_start3A_240 = tpu.memref_slice %arg3[%dma_start3A_238, %dma_start3A_239] : memref<100000x128xf32, #tpu.memory_space<hbm>> -> memref<100000x128xf32, #tpu.memory_space<hbm>>
      tpu.enqueue_indirect_dma source(%dma_start3A_240 : memref<100000x128xf32, #tpu.memory_space<hbm>>) target(%dma_start3A_234 : memref<64x128xf32, #tpu.memory_space<vmem>>) offsets(%dma_start3A_237 : memref<64xi32, #tpu.memory_space<vmem>>) semaphore(%arg10 : memref<!tpu.dma_semaphore, #tpu.memory_space<semaphore_mem>>)
      %add3A_241 = arith.constant 2 : i32
      %add3A_242 = arith.addi %mul3A_172, %add3A_241 : i32
      %gt3A_243 = arith.constant 0 : i32
      %gt3A_244 = arith.cmpi sgt, %add3A_170, %gt3A_243 : i32
      %convert_element_type3A_245 = arith.extui %gt3A_244 : i1 to i32
      %cond3A_246 = arith.constant 0 : i32
      %cond3A_247 = arith.cmpi ne, %convert_element_type3A_245, %cond3A_246 : i32
      scf.if %cond3A_247 {
        %dma_wait3A_649 = arith.constant 4 : i32
        %dma_wait3A_650 = arith.constant 0 : i32
        %dma_wait3A_651 = arith.constant 0 : i32
        %dma_wait3A_652 = arith.constant 0 : i32
        %dma_wait3A_653 = tpu.memref_slice %arg6[%dma_wait3A_649, %dma_wait3A_651, %dma_wait3A_652] : memref<10x64x128xf32, #tpu.memory_space<vmem>> -> memref<1x64x128xf32, #tpu.memory_space<vmem>>
        %dma_wait3A_654 = tpu.memref_squeeze %dma_wait3A_653 : memref<1x64x128xf32, #tpu.memory_space<vmem>> -> memref<64x128xf32, #tpu.memory_space<vmem>>
        %dma_wait3A_655 = arith.constant 0 : i32
        %dma_wait3A_656 = tpu.memref_slice %arg4[%dma_wait3A_650, %mul3A_2, %dma_wait3A_655] : memref<50x4096x128xf32, #tpu.memory_space<hbm>> -> memref<1x64x128xf32, #tpu.memory_space<hbm>>
        %dma_wait3A_657 = tpu.memref_squeeze %dma_wait3A_656 : memref<1x64x128xf32, #tpu.memory_space<hbm>> -> memref<64x128xf32, #tpu.memory_space<hbm>>
        %dma_wait3A_658 = arith.constant 0 : i32
        %dma_wait3A_659 = tpu.memref_slice %arg4[%dma_wait3A_650, %mul3A_2, %dma_wait3A_658] : memref<50x4096x128xf32, #tpu.memory_space<hbm>> -> memref<1x64x128xf32, #tpu.memory_space<hbm>>
        %dma_wait3A_660 = tpu.memref_squeeze %dma_wait3A_659 : memref<1x64x128xf32, #tpu.memory_space<hbm>> -> memref<64x128xf32, #tpu.memory_space<hbm>>
        %dma_wait3A_661 = arith.constant 0 : i32
        %dma_wait3A_662 = arith.constant 0 : i32
        %dma_wait3A_663 = tpu.memref_slice %arg6[%dma_wait3A_649, %dma_wait3A_661, %dma_wait3A_662] : memref<10x64x128xf32, #tpu.memory_space<vmem>> -> memref<1x64x128xf32, #tpu.memory_space<vmem>>
        %dma_wait3A_664 = tpu.memref_squeeze %dma_wait3A_663 : memref<1x64x128xf32, #tpu.memory_space<vmem>> -> memref<64x128xf32, #tpu.memory_space<vmem>>
        tpu.wait_dma2 semaphore(%arg21 : memref<!tpu.dma_semaphore, #tpu.memory_space<semaphore_mem>>) src(%dma_wait3A_664 : memref<64x128xf32, #tpu.memory_space<vmem>>) dst(%dma_wait3A_660 : memref<64x128xf32, #tpu.memory_space<hbm>>)
      } else {
      }
      %dma_start3A_248 = arith.constant 4 : i32
      %dma_start3A_249 = arith.constant 0 : i32
      %dma_start3A_250 = arith.constant 0 : i32
      %dma_start3A_251 = tpu.memref_slice %arg6[%dma_start3A_248, %dma_start3A_249, %dma_start3A_250] : memref<10x64x128xf32, #tpu.memory_space<vmem>> -> memref<1x64x128xf32, #tpu.memory_space<vmem>>
      %dma_start3A_252 = tpu.memref_squeeze %dma_start3A_251 : memref<1x64x128xf32, #tpu.memory_space<vmem>> -> memref<64x128xf32, #tpu.memory_space<vmem>>
      %dma_start3A_253 = arith.constant 0 : i32
      %dma_start3A_254 = tpu.memref_slice %arg5[%add3A_242, %dma_start3A_253] : memref<50x128xi32, #tpu.memory_space<vmem>> -> memref<1x64xi32, #tpu.memory_space<vmem>>
      %dma_start3A_255 = tpu.memref_squeeze %dma_start3A_254 : memref<1x64xi32, #tpu.memory_space<vmem>> -> memref<64xi32, #tpu.memory_space<vmem>>
      %dma_start3A_256 = arith.constant 0 : i32
      %dma_start3A_257 = arith.constant 0 : i32
      %dma_start3A_258 = tpu.memref_slice %arg3[%dma_start3A_256, %dma_start3A_257] : memref<100000x128xf32, #tpu.memory_space<hbm>> -> memref<100000x128xf32, #tpu.memory_space<hbm>>
      tpu.enqueue_indirect_dma source(%dma_start3A_258 : memref<100000x128xf32, #tpu.memory_space<hbm>>) target(%dma_start3A_252 : memref<64x128xf32, #tpu.memory_space<vmem>>) offsets(%dma_start3A_255 : memref<64xi32, #tpu.memory_space<vmem>>) semaphore(%arg11 : memref<!tpu.dma_semaphore, #tpu.memory_space<semaphore_mem>>)
      %add3A_259 = arith.constant 2 : i32
      %add3A_260 = arith.addi %mul3A_172, %add3A_259 : i32
      %gt3A_261 = arith.constant 0 : i32
      %gt3A_262 = arith.cmpi sgt, %add3A_170, %gt3A_261 : i32
      %convert_element_type3A_263 = arith.extui %gt3A_262 : i1 to i32
      %cond3A_264 = arith.constant 0 : i32
      %cond3A_265 = arith.cmpi ne, %convert_element_type3A_263, %cond3A_264 : i32
      scf.if %cond3A_265 {
        %dma_wait3A_649 = arith.constant 5 : i32
        %dma_wait3A_650 = arith.constant 0 : i32
        %dma_wait3A_651 = arith.constant 0 : i32
        %dma_wait3A_652 = arith.constant 0 : i32
        %dma_wait3A_653 = tpu.memref_slice %arg6[%dma_wait3A_649, %dma_wait3A_651, %dma_wait3A_652] : memref<10x64x128xf32, #tpu.memory_space<vmem>> -> memref<1x64x128xf32, #tpu.memory_space<vmem>>
        %dma_wait3A_654 = tpu.memref_squeeze %dma_wait3A_653 : memref<1x64x128xf32, #tpu.memory_space<vmem>> -> memref<64x128xf32, #tpu.memory_space<vmem>>
        %dma_wait3A_655 = arith.constant 0 : i32
        %dma_wait3A_656 = tpu.memref_slice %arg4[%dma_wait3A_650, %mul3A_2, %dma_wait3A_655] : memref<50x4096x128xf32, #tpu.memory_space<hbm>> -> memref<1x64x128xf32, #tpu.memory_space<hbm>>
        %dma_wait3A_657 = tpu.memref_squeeze %dma_wait3A_656 : memref<1x64x128xf32, #tpu.memory_space<hbm>> -> memref<64x128xf32, #tpu.memory_space<hbm>>
        %dma_wait3A_658 = arith.constant 0 : i32
        %dma_wait3A_659 = tpu.memref_slice %arg4[%dma_wait3A_650, %mul3A_2, %dma_wait3A_658] : memref<50x4096x128xf32, #tpu.memory_space<hbm>> -> memref<1x64x128xf32, #tpu.memory_space<hbm>>
        %dma_wait3A_660 = tpu.memref_squeeze %dma_wait3A_659 : memref<1x64x128xf32, #tpu.memory_space<hbm>> -> memref<64x128xf32, #tpu.memory_space<hbm>>
        %dma_wait3A_661 = arith.constant 0 : i32
        %dma_wait3A_662 = arith.constant 0 : i32
        %dma_wait3A_663 = tpu.memref_slice %arg6[%dma_wait3A_649, %dma_wait3A_661, %dma_wait3A_662] : memref<10x64x128xf32, #tpu.memory_space<vmem>> -> memref<1x64x128xf32, #tpu.memory_space<vmem>>
        %dma_wait3A_664 = tpu.memref_squeeze %dma_wait3A_663 : memref<1x64x128xf32, #tpu.memory_space<vmem>> -> memref<64x128xf32, #tpu.memory_space<vmem>>
        tpu.wait_dma2 semaphore(%arg22 : memref<!tpu.dma_semaphore, #tpu.memory_space<semaphore_mem>>) src(%dma_wait3A_664 : memref<64x128xf32, #tpu.memory_space<vmem>>) dst(%dma_wait3A_660 : memref<64x128xf32, #tpu.memory_space<hbm>>)
      } else {
      }
      %dma_start3A_266 = arith.constant 5 : i32
      %dma_start3A_267 = arith.constant 0 : i32
      %dma_start3A_268 = arith.constant 0 : i32
      %dma_start3A_269 = tpu.memref_slice %arg6[%dma_start3A_266, %dma_start3A_267, %dma_start3A_268] : memref<10x64x128xf32, #tpu.memory_space<vmem>> -> memref<1x64x128xf32, #tpu.memory_space<vmem>>
      %dma_start3A_270 = tpu.memref_squeeze %dma_start3A_269 : memref<1x64x128xf32, #tpu.memory_space<vmem>> -> memref<64x128xf32, #tpu.memory_space<vmem>>
      %dma_start3A_271 = arith.constant 64 : i32
      %dma_start3A_272 = tpu.memref_slice %arg5[%add3A_260, %dma_start3A_271] : memref<50x128xi32, #tpu.memory_space<vmem>> -> memref<1x64xi32, #tpu.memory_space<vmem>>
      %dma_start3A_273 = tpu.memref_squeeze %dma_start3A_272 : memref<1x64xi32, #tpu.memory_space<vmem>> -> memref<64xi32, #tpu.memory_space<vmem>>
      %dma_start3A_274 = arith.constant 0 : i32
      %dma_start3A_275 = arith.constant 0 : i32
      %dma_start3A_276 = tpu.memref_slice %arg3[%dma_start3A_274, %dma_start3A_275] : memref<100000x128xf32, #tpu.memory_space<hbm>> -> memref<100000x128xf32, #tpu.memory_space<hbm>>
      tpu.enqueue_indirect_dma source(%dma_start3A_276 : memref<100000x128xf32, #tpu.memory_space<hbm>>) target(%dma_start3A_270 : memref<64x128xf32, #tpu.memory_space<vmem>>) offsets(%dma_start3A_273 : memref<64xi32, #tpu.memory_space<vmem>>) semaphore(%arg12 : memref<!tpu.dma_semaphore, #tpu.memory_space<semaphore_mem>>)
      %add3A_277 = arith.constant 3 : i32
      %add3A_278 = arith.addi %mul3A_172, %add3A_277 : i32
      %gt3A_279 = arith.constant 0 : i32
      %gt3A_280 = arith.cmpi sgt, %add3A_170, %gt3A_279 : i32
      %convert_element_type3A_281 = arith.extui %gt3A_280 : i1 to i32
      %cond3A_282 = arith.constant 0 : i32
      %cond3A_283 = arith.cmpi ne, %convert_element_type3A_281, %cond3A_282 : i32
      scf.if %cond3A_283 {
        %dma_wait3A_649 = arith.constant 6 : i32
        %dma_wait3A_650 = arith.constant 0 : i32
        %dma_wait3A_651 = arith.constant 0 : i32
        %dma_wait3A_652 = arith.constant 0 : i32
        %dma_wait3A_653 = tpu.memref_slice %arg6[%dma_wait3A_649, %dma_wait3A_651, %dma_wait3A_652] : memref<10x64x128xf32, #tpu.memory_space<vmem>> -> memref<1x64x128xf32, #tpu.memory_space<vmem>>
        %dma_wait3A_654 = tpu.memref_squeeze %dma_wait3A_653 : memref<1x64x128xf32, #tpu.memory_space<vmem>> -> memref<64x128xf32, #tpu.memory_space<vmem>>
        %dma_wait3A_655 = arith.constant 0 : i32
        %dma_wait3A_656 = tpu.memref_slice %arg4[%dma_wait3A_650, %mul3A_2, %dma_wait3A_655] : memref<50x4096x128xf32, #tpu.memory_space<hbm>> -> memref<1x64x128xf32, #tpu.memory_space<hbm>>
        %dma_wait3A_657 = tpu.memref_squeeze %dma_wait3A_656 : memref<1x64x128xf32, #tpu.memory_space<hbm>> -> memref<64x128xf32, #tpu.memory_space<hbm>>
        %dma_wait3A_658 = arith.constant 0 : i32
        %dma_wait3A_659 = tpu.memref_slice %arg4[%dma_wait3A_650, %mul3A_2, %dma_wait3A_658] : memref<50x4096x128xf32, #tpu.memory_space<hbm>> -> memref<1x64x128xf32, #tpu.memory_space<hbm>>
        %dma_wait3A_660 = tpu.memref_squeeze %dma_wait3A_659 : memref<1x64x128xf32, #tpu.memory_space<hbm>> -> memref<64x128xf32, #tpu.memory_space<hbm>>
        %dma_wait3A_661 = arith.constant 0 : i32
        %dma_wait3A_662 = arith.constant 0 : i32
        %dma_wait3A_663 = tpu.memref_slice %arg6[%dma_wait3A_649, %dma_wait3A_661, %dma_wait3A_662] : memref<10x64x128xf32, #tpu.memory_space<vmem>> -> memref<1x64x128xf32, #tpu.memory_space<vmem>>
        %dma_wait3A_664 = tpu.memref_squeeze %dma_wait3A_663 : memref<1x64x128xf32, #tpu.memory_space<vmem>> -> memref<64x128xf32, #tpu.memory_space<vmem>>
        tpu.wait_dma2 semaphore(%arg23 : memref<!tpu.dma_semaphore, #tpu.memory_space<semaphore_mem>>) src(%dma_wait3A_664 : memref<64x128xf32, #tpu.memory_space<vmem>>) dst(%dma_wait3A_660 : memref<64x128xf32, #tpu.memory_space<hbm>>)
      } else {
      }
      %dma_start3A_284 = arith.constant 6 : i32
      %dma_start3A_285 = arith.constant 0 : i32
      %dma_start3A_286 = arith.constant 0 : i32
      %dma_start3A_287 = tpu.memref_slice %arg6[%dma_start3A_284, %dma_start3A_285, %dma_start3A_286] : memref<10x64x128xf32, #tpu.memory_space<vmem>> -> memref<1x64x128xf32, #tpu.memory_space<vmem>>
      %dma_start3A_288 = tpu.memref_squeeze %dma_start3A_287 : memref<1x64x128xf32, #tpu.memory_space<vmem>> -> memref<64x128xf32, #tpu.memory_space<vmem>>
      %dma_start3A_289 = arith.constant 0 : i32
      %dma_start3A_290 = tpu.memref_slice %arg5[%add3A_278, %dma_start3A_289] : memref<50x128xi32, #tpu.memory_space<vmem>> -> memref<1x64xi32, #tpu.memory_space<vmem>>
      %dma_start3A_291 = tpu.memref_squeeze %dma_start3A_290 : memref<1x64xi32, #tpu.memory_space<vmem>> -> memref<64xi32, #tpu.memory_space<vmem>>
      %dma_start3A_292 = arith.constant 0 : i32
      %dma_start3A_293 = arith.constant 0 : i32
      %dma_start3A_294 = tpu.memref_slice %arg3[%dma_start3A_292, %dma_start3A_293] : memref<100000x128xf32, #tpu.memory_space<hbm>> -> memref<100000x128xf32, #tpu.memory_space<hbm>>
      tpu.enqueue_indirect_dma source(%dma_start3A_294 : memref<100000x128xf32, #tpu.memory_space<hbm>>) target(%dma_start3A_288 : memref<64x128xf32, #tpu.memory_space<vmem>>) offsets(%dma_start3A_291 : memref<64xi32, #tpu.memory_space<vmem>>) semaphore(%arg13 : memref<!tpu.dma_semaphore, #tpu.memory_space<semaphore_mem>>)
      %add3A_295 = arith.constant 3 : i32
      %add3A_296 = arith.addi %mul3A_172, %add3A_295 : i32
      %gt3A_297 = arith.constant 0 : i32
      %gt3A_298 = arith.cmpi sgt, %add3A_170, %gt3A_297 : i32
      %convert_element_type3A_299 = arith.extui %gt3A_298 : i1 to i32
      %cond3A_300 = arith.constant 0 : i32
      %cond3A_301 = arith.cmpi ne, %convert_element_type3A_299, %cond3A_300 : i32
      scf.if %cond3A_301 {
        %dma_wait3A_649 = arith.constant 7 : i32
        %dma_wait3A_650 = arith.constant 0 : i32
        %dma_wait3A_651 = arith.constant 0 : i32
        %dma_wait3A_652 = arith.constant 0 : i32
        %dma_wait3A_653 = tpu.memref_slice %arg6[%dma_wait3A_649, %dma_wait3A_651, %dma_wait3A_652] : memref<10x64x128xf32, #tpu.memory_space<vmem>> -> memref<1x64x128xf32, #tpu.memory_space<vmem>>
        %dma_wait3A_654 = tpu.memref_squeeze %dma_wait3A_653 : memref<1x64x128xf32, #tpu.memory_space<vmem>> -> memref<64x128xf32, #tpu.memory_space<vmem>>
        %dma_wait3A_655 = arith.constant 0 : i32
        %dma_wait3A_656 = tpu.memref_slice %arg4[%dma_wait3A_650, %mul3A_2, %dma_wait3A_655] : memref<50x4096x128xf32, #tpu.memory_space<hbm>> -> memref<1x64x128xf32, #tpu.memory_space<hbm>>
        %dma_wait3A_657 = tpu.memref_squeeze %dma_wait3A_656 : memref<1x64x128xf32, #tpu.memory_space<hbm>> -> memref<64x128xf32, #tpu.memory_space<hbm>>
        %dma_wait3A_658 = arith.constant 0 : i32
        %dma_wait3A_659 = tpu.memref_slice %arg4[%dma_wait3A_650, %mul3A_2, %dma_wait3A_658] : memref<50x4096x128xf32, #tpu.memory_space<hbm>> -> memref<1x64x128xf32, #tpu.memory_space<hbm>>
        %dma_wait3A_660 = tpu.memref_squeeze %dma_wait3A_659 : memref<1x64x128xf32, #tpu.memory_space<hbm>> -> memref<64x128xf32, #tpu.memory_space<hbm>>
        %dma_wait3A_661 = arith.constant 0 : i32
        %dma_wait3A_662 = arith.constant 0 : i32
        %dma_wait3A_663 = tpu.memref_slice %arg6[%dma_wait3A_649, %dma_wait3A_661, %dma_wait3A_662] : memref<10x64x128xf32, #tpu.memory_space<vmem>> -> memref<1x64x128xf32, #tpu.memory_space<vmem>>
        %dma_wait3A_664 = tpu.memref_squeeze %dma_wait3A_663 : memref<1x64x128xf32, #tpu.memory_space<vmem>> -> memref<64x128xf32, #tpu.memory_space<vmem>>
        tpu.wait_dma2 semaphore(%arg24 : memref<!tpu.dma_semaphore, #tpu.memory_space<semaphore_mem>>) src(%dma_wait3A_664 : memref<64x128xf32, #tpu.memory_space<vmem>>) dst(%dma_wait3A_660 : memref<64x128xf32, #tpu.memory_space<hbm>>)
      } else {
      }
      %dma_start3A_302 = arith.constant 7 : i32
      %dma_start3A_303 = arith.constant 0 : i32
      %dma_start3A_304 = arith.constant 0 : i32
      %dma_start3A_305 = tpu.memref_slice %arg6[%dma_start3A_302, %dma_start3A_303, %dma_start3A_304] : memref<10x64x128xf32, #tpu.memory_space<vmem>> -> memref<1x64x128xf32, #tpu.memory_space<vmem>>
      %dma_start3A_306 = tpu.memref_squeeze %dma_start3A_305 : memref<1x64x128xf32, #tpu.memory_space<vmem>> -> memref<64x128xf32, #tpu.memory_space<vmem>>
      %dma_start3A_307 = arith.constant 64 : i32
      %dma_start3A_308 = tpu.memref_slice %arg5[%add3A_296, %dma_start3A_307] : memref<50x128xi32, #tpu.memory_space<vmem>> -> memref<1x64xi32, #tpu.memory_space<vmem>>
      %dma_start3A_309 = tpu.memref_squeeze %dma_start3A_308 : memref<1x64xi32, #tpu.memory_space<vmem>> -> memref<64xi32, #tpu.memory_space<vmem>>
      %dma_start3A_310 = arith.constant 0 : i32
      %dma_start3A_311 = arith.constant 0 : i32
      %dma_start3A_312 = tpu.memref_slice %arg3[%dma_start3A_310, %dma_start3A_311] : memref<100000x128xf32, #tpu.memory_space<hbm>> -> memref<100000x128xf32, #tpu.memory_space<hbm>>
      tpu.enqueue_indirect_dma source(%dma_start3A_312 : memref<100000x128xf32, #tpu.memory_space<hbm>>) target(%dma_start3A_306 : memref<64x128xf32, #tpu.memory_space<vmem>>) offsets(%dma_start3A_309 : memref<64xi32, #tpu.memory_space<vmem>>) semaphore(%arg14 : memref<!tpu.dma_semaphore, #tpu.memory_space<semaphore_mem>>)
      %add3A_313 = arith.constant 4 : i32
      %add3A_314 = arith.addi %mul3A_172, %add3A_313 : i32
      %gt3A_315 = arith.constant 0 : i32
      %gt3A_316 = arith.cmpi sgt, %add3A_170, %gt3A_315 : i32
      %convert_element_type3A_317 = arith.extui %gt3A_316 : i1 to i32
      %cond3A_318 = arith.constant 0 : i32
      %cond3A_319 = arith.cmpi ne, %convert_element_type3A_317, %cond3A_318 : i32
      scf.if %cond3A_319 {
        %dma_wait3A_649 = arith.constant 8 : i32
        %dma_wait3A_650 = arith.constant 0 : i32
        %dma_wait3A_651 = arith.constant 0 : i32
        %dma_wait3A_652 = arith.constant 0 : i32
        %dma_wait3A_653 = tpu.memref_slice %arg6[%dma_wait3A_649, %dma_wait3A_651, %dma_wait3A_652] : memref<10x64x128xf32, #tpu.memory_space<vmem>> -> memref<1x64x128xf32, #tpu.memory_space<vmem>>
        %dma_wait3A_654 = tpu.memref_squeeze %dma_wait3A_653 : memref<1x64x128xf32, #tpu.memory_space<vmem>> -> memref<64x128xf32, #tpu.memory_space<vmem>>
        %dma_wait3A_655 = arith.constant 0 : i32
        %dma_wait3A_656 = tpu.memref_slice %arg4[%dma_wait3A_650, %mul3A_2, %dma_wait3A_655] : memref<50x4096x128xf32, #tpu.memory_space<hbm>> -> memref<1x64x128xf32, #tpu.memory_space<hbm>>
        %dma_wait3A_657 = tpu.memref_squeeze %dma_wait3A_656 : memref<1x64x128xf32, #tpu.memory_space<hbm>> -> memref<64x128xf32, #tpu.memory_space<hbm>>
        %dma_wait3A_658 = arith.constant 0 : i32
        %dma_wait3A_659 = tpu.memref_slice %arg4[%dma_wait3A_650, %mul3A_2, %dma_wait3A_658] : memref<50x4096x128xf32, #tpu.memory_space<hbm>> -> memref<1x64x128xf32, #tpu.memory_space<hbm>>
        %dma_wait3A_660 = tpu.memref_squeeze %dma_wait3A_659 : memref<1x64x128xf32, #tpu.memory_space<hbm>> -> memref<64x128xf32, #tpu.memory_space<hbm>>
        %dma_wait3A_661 = arith.constant 0 : i32
        %dma_wait3A_662 = arith.constant 0 : i32
        %dma_wait3A_663 = tpu.memref_slice %arg6[%dma_wait3A_649, %dma_wait3A_661, %dma_wait3A_662] : memref<10x64x128xf32, #tpu.memory_space<vmem>> -> memref<1x64x128xf32, #tpu.memory_space<vmem>>
        %dma_wait3A_664 = tpu.memref_squeeze %dma_wait3A_663 : memref<1x64x128xf32, #tpu.memory_space<vmem>> -> memref<64x128xf32, #tpu.memory_space<vmem>>
        tpu.wait_dma2 semaphore(%arg25 : memref<!tpu.dma_semaphore, #tpu.memory_space<semaphore_mem>>) src(%dma_wait3A_664 : memref<64x128xf32, #tpu.memory_space<vmem>>) dst(%dma_wait3A_660 : memref<64x128xf32, #tpu.memory_space<hbm>>)
      } else {
      }
      %dma_start3A_320 = arith.constant 8 : i32
      %dma_start3A_321 = arith.constant 0 : i32
      %dma_start3A_322 = arith.constant 0 : i32
      %dma_start3A_323 = tpu.memref_slice %arg6[%dma_start3A_320, %dma_start3A_321, %dma_start3A_322] : memref<10x64x128xf32, #tpu.memory_space<vmem>> -> memref<1x64x128xf32, #tpu.memory_space<vmem>>
      %dma_start3A_324 = tpu.memref_squeeze %dma_start3A_323 : memref<1x64x128xf32, #tpu.memory_space<vmem>> -> memref<64x128xf32, #tpu.memory_space<vmem>>
      %dma_start3A_325 = arith.constant 0 : i32
      %dma_start3A_326 = tpu.memref_slice %arg5[%add3A_314, %dma_start3A_325] : memref<50x128xi32, #tpu.memory_space<vmem>> -> memref<1x64xi32, #tpu.memory_space<vmem>>
      %dma_start3A_327 = tpu.memref_squeeze %dma_start3A_326 : memref<1x64xi32, #tpu.memory_space<vmem>> -> memref<64xi32, #tpu.memory_space<vmem>>
      %dma_start3A_328 = arith.constant 0 : i32
      %dma_start3A_329 = arith.constant 0 : i32
      %dma_start3A_330 = tpu.memref_slice %arg3[%dma_start3A_328, %dma_start3A_329] : memref<100000x128xf32, #tpu.memory_space<hbm>> -> memref<100000x128xf32, #tpu.memory_space<hbm>>
      tpu.enqueue_indirect_dma source(%dma_start3A_330 : memref<100000x128xf32, #tpu.memory_space<hbm>>) target(%dma_start3A_324 : memref<64x128xf32, #tpu.memory_space<vmem>>) offsets(%dma_start3A_327 : memref<64xi32, #tpu.memory_space<vmem>>) semaphore(%arg15 : memref<!tpu.dma_semaphore, #tpu.memory_space<semaphore_mem>>)
      %add3A_331 = arith.constant 4 : i32
      %add3A_332 = arith.addi %mul3A_172, %add3A_331 : i32
      %gt3A_333 = arith.constant 0 : i32
      %gt3A_334 = arith.cmpi sgt, %add3A_170, %gt3A_333 : i32
      %convert_element_type3A_335 = arith.extui %gt3A_334 : i1 to i32
      %cond3A_336 = arith.constant 0 : i32
      %cond3A_337 = arith.cmpi ne, %convert_element_type3A_335, %cond3A_336 : i32
      scf.if %cond3A_337 {
        %dma_wait3A_649 = arith.constant 9 : i32
        %dma_wait3A_650 = arith.constant 0 : i32
        %dma_wait3A_651 = arith.constant 0 : i32
        %dma_wait3A_652 = arith.constant 0 : i32
        %dma_wait3A_653 = tpu.memref_slice %arg6[%dma_wait3A_649, %dma_wait3A_651, %dma_wait3A_652] : memref<10x64x128xf32, #tpu.memory_space<vmem>> -> memref<1x64x128xf32, #tpu.memory_space<vmem>>
        %dma_wait3A_654 = tpu.memref_squeeze %dma_wait3A_653 : memref<1x64x128xf32, #tpu.memory_space<vmem>> -> memref<64x128xf32, #tpu.memory_space<vmem>>
        %dma_wait3A_655 = arith.constant 0 : i32
        %dma_wait3A_656 = tpu.memref_slice %arg4[%dma_wait3A_650, %mul3A_2, %dma_wait3A_655] : memref<50x4096x128xf32, #tpu.memory_space<hbm>> -> memref<1x64x128xf32, #tpu.memory_space<hbm>>
        %dma_wait3A_657 = tpu.memref_squeeze %dma_wait3A_656 : memref<1x64x128xf32, #tpu.memory_space<hbm>> -> memref<64x128xf32, #tpu.memory_space<hbm>>
        %dma_wait3A_658 = arith.constant 0 : i32
        %dma_wait3A_659 = tpu.memref_slice %arg4[%dma_wait3A_650, %mul3A_2, %dma_wait3A_658] : memref<50x4096x128xf32, #tpu.memory_space<hbm>> -> memref<1x64x128xf32, #tpu.memory_space<hbm>>
        %dma_wait3A_660 = tpu.memref_squeeze %dma_wait3A_659 : memref<1x64x128xf32, #tpu.memory_space<hbm>> -> memref<64x128xf32, #tpu.memory_space<hbm>>
        %dma_wait3A_661 = arith.constant 0 : i32
        %dma_wait3A_662 = arith.constant 0 : i32
        %dma_wait3A_663 = tpu.memref_slice %arg6[%dma_wait3A_649, %dma_wait3A_661, %dma_wait3A_662] : memref<10x64x128xf32, #tpu.memory_space<vmem>> -> memref<1x64x128xf32, #tpu.memory_space<vmem>>
        %dma_wait3A_664 = tpu.memref_squeeze %dma_wait3A_663 : memref<1x64x128xf32, #tpu.memory_space<vmem>> -> memref<64x128xf32, #tpu.memory_space<vmem>>
        tpu.wait_dma2 semaphore(%arg26 : memref<!tpu.dma_semaphore, #tpu.memory_space<semaphore_mem>>) src(%dma_wait3A_664 : memref<64x128xf32, #tpu.memory_space<vmem>>) dst(%dma_wait3A_660 : memref<64x128xf32, #tpu.memory_space<hbm>>)
      } else {
      }
      %dma_start3A_338 = arith.constant 9 : i32
      %dma_start3A_339 = arith.constant 0 : i32
      %dma_start3A_340 = arith.constant 0 : i32
      %dma_start3A_341 = tpu.memref_slice %arg6[%dma_start3A_338, %dma_start3A_339, %dma_start3A_340] : memref<10x64x128xf32, #tpu.memory_space<vmem>> -> memref<1x64x128xf32, #tpu.memory_space<vmem>>
      %dma_start3A_342 = tpu.memref_squeeze %dma_start3A_341 : memref<1x64x128xf32, #tpu.memory_space<vmem>> -> memref<64x128xf32, #tpu.memory_space<vmem>>
      %dma_start3A_343 = arith.constant 64 : i32
      %dma_start3A_344 = tpu.memref_slice %arg5[%add3A_332, %dma_start3A_343] : memref<50x128xi32, #tpu.memory_space<vmem>> -> memref<1x64xi32, #tpu.memory_space<vmem>>
      %dma_start3A_345 = tpu.memref_squeeze %dma_start3A_344 : memref<1x64xi32, #tpu.memory_space<vmem>> -> memref<64xi32, #tpu.memory_space<vmem>>
      %dma_start3A_346 = arith.constant 0 : i32
      %dma_start3A_347 = arith.constant 0 : i32
      %dma_start3A_348 = tpu.memref_slice %arg3[%dma_start3A_346, %dma_start3A_347] : memref<100000x128xf32, #tpu.memory_space<hbm>> -> memref<100000x128xf32, #tpu.memory_space<hbm>>
      tpu.enqueue_indirect_dma source(%dma_start3A_348 : memref<100000x128xf32, #tpu.memory_space<hbm>>) target(%dma_start3A_342 : memref<64x128xf32, #tpu.memory_space<vmem>>) offsets(%dma_start3A_345 : memref<64xi32, #tpu.memory_space<vmem>>) semaphore(%arg16 : memref<!tpu.dma_semaphore, #tpu.memory_space<semaphore_mem>>)
      %dma_wait3A_349 = arith.constant 0 : i32
      %dma_wait3A_350 = arith.constant 0 : i32
      %dma_wait3A_351 = arith.constant 0 : i32
      %dma_wait3A_352 = tpu.memref_slice %arg6[%dma_wait3A_349, %dma_wait3A_350, %dma_wait3A_351] : memref<10x64x128xf32, #tpu.memory_space<vmem>> -> memref<1x64x128xf32, #tpu.memory_space<vmem>>
      %dma_wait3A_353 = tpu.memref_squeeze %dma_wait3A_352 : memref<1x64x128xf32, #tpu.memory_space<vmem>> -> memref<64x128xf32, #tpu.memory_space<vmem>>
      %dma_wait3A_354 = arith.constant 0 : i32
      %dma_wait3A_355 = tpu.memref_slice %arg5[%add3A_174, %dma_wait3A_354] : memref<50x128xi32, #tpu.memory_space<vmem>> -> memref<1x64xi32, #tpu.memory_space<vmem>>
      %dma_wait3A_356 = tpu.memref_squeeze %dma_wait3A_355 : memref<1x64xi32, #tpu.memory_space<vmem>> -> memref<64xi32, #tpu.memory_space<vmem>>
      %dma_wait3A_357 = arith.constant 0 : i32
      %dma_wait3A_358 = arith.constant 0 : i32
      %dma_wait3A_359 = tpu.memref_slice %arg3[%dma_wait3A_357, %dma_wait3A_358] : memref<100000x128xf32, #tpu.memory_space<hbm>> -> memref<100000x128xf32, #tpu.memory_space<hbm>>
      tpu.wait_indirect_dma semaphore(%arg7 : memref<!tpu.dma_semaphore, #tpu.memory_space<semaphore_mem>>) src(%dma_wait3A_359 : memref<100000x128xf32, #tpu.memory_space<hbm>>) dst(%dma_wait3A_353 : memref<64x128xf32, #tpu.memory_space<vmem>>)
      %add3A_360 = arith.constant 0 : i32
      %add3A_361 = arith.addi %mul3A_172, %add3A_360 : i32
      %add3A_362 = arith.constant 0 : i32
      %add3A_363 = arith.addi %mul3A_2, %add3A_362 : i32
      %dma_start3A_364 = arith.constant 0 : i32
      %dma_start3A_365 = arith.constant 0 : i32
      %dma_start3A_366 = arith.constant 0 : i32
      %dma_start3A_367 = tpu.memref_slice %arg6[%dma_start3A_364, %dma_start3A_365, %dma_start3A_366] : memref<10x64x128xf32, #tpu.memory_space<vmem>> -> memref<1x64x128xf32, #tpu.memory_space<vmem>>
      %dma_start3A_368 = tpu.memref_squeeze %dma_start3A_367 : memref<1x64x128xf32, #tpu.memory_space<vmem>> -> memref<64x128xf32, #tpu.memory_space<vmem>>
      %dma_start3A_369 = arith.constant 0 : i32
      %dma_start3A_370 = tpu.memref_slice %arg4[%add3A_361, %add3A_363, %dma_start3A_369] : memref<50x4096x128xf32, #tpu.memory_space<hbm>> -> memref<1x64x128xf32, #tpu.memory_space<hbm>>
      %dma_start3A_371 = tpu.memref_squeeze %dma_start3A_370 : memref<1x64x128xf32, #tpu.memory_space<hbm>> -> memref<64x128xf32, #tpu.memory_space<hbm>>
      %dma_start3A_372 = arith.constant 0 : i32
      %dma_start3A_373 = tpu.memref_slice %arg4[%add3A_361, %add3A_363, %dma_start3A_372] : memref<50x4096x128xf32, #tpu.memory_space<hbm>> -> memref<1x64x128xf32, #tpu.memory_space<hbm>>
      %dma_start3A_374 = tpu.memref_squeeze %dma_start3A_373 : memref<1x64x128xf32, #tpu.memory_space<hbm>> -> memref<64x128xf32, #tpu.memory_space<hbm>>
      %dma_start3A_375 = arith.constant 0 : i32
      %dma_start3A_376 = arith.constant 0 : i32
      %dma_start3A_377 = tpu.memref_slice %arg6[%dma_start3A_364, %dma_start3A_375, %dma_start3A_376] : memref<10x64x128xf32, #tpu.memory_space<vmem>> -> memref<1x64x128xf32, #tpu.memory_space<vmem>>
      %dma_start3A_378 = tpu.memref_squeeze %dma_start3A_377 : memref<1x64x128xf32, #tpu.memory_space<vmem>> -> memref<64x128xf32, #tpu.memory_space<vmem>>
      tpu.enqueue_dma source(%dma_start3A_378 : memref<64x128xf32, #tpu.memory_space<vmem>>) target(%dma_start3A_374 : memref<64x128xf32, #tpu.memory_space<hbm>>) target_semaphore(%arg17 : memref<!tpu.dma_semaphore, #tpu.memory_space<semaphore_mem>>)
      %dma_wait3A_379 = arith.constant 1 : i32
      %dma_wait3A_380 = arith.constant 0 : i32
      %dma_wait3A_381 = arith.constant 0 : i32
      %dma_wait3A_382 = tpu.memref_slice %arg6[%dma_wait3A_379, %dma_wait3A_380, %dma_wait3A_381] : memref<10x64x128xf32, #tpu.memory_space<vmem>> -> memref<1x64x128xf32, #tpu.memory_space<vmem>>
      %dma_wait3A_383 = tpu.memref_squeeze %dma_wait3A_382 : memref<1x64x128xf32, #tpu.memory_space<vmem>> -> memref<64x128xf32, #tpu.memory_space<vmem>>
      %dma_wait3A_384 = arith.constant 64 : i32
      %dma_wait3A_385 = tpu.memref_slice %arg5[%add3A_188, %dma_wait3A_384] : memref<50x128xi32, #tpu.memory_space<vmem>> -> memref<1x64xi32, #tpu.memory_space<vmem>>
      %dma_wait3A_386 = tpu.memref_squeeze %dma_wait3A_385 : memref<1x64xi32, #tpu.memory_space<vmem>> -> memref<64xi32, #tpu.memory_space<vmem>>
      %dma_wait3A_387 = arith.constant 0 : i32
      %dma_wait3A_388 = arith.constant 0 : i32
      %dma_wait3A_389 = tpu.memref_slice %arg3[%dma_wait3A_387, %dma_wait3A_388] : memref<100000x128xf32, #tpu.memory_space<hbm>> -> memref<100000x128xf32, #tpu.memory_space<hbm>>
      tpu.wait_indirect_dma semaphore(%arg8 : memref<!tpu.dma_semaphore, #tpu.memory_space<semaphore_mem>>) src(%dma_wait3A_389 : memref<100000x128xf32, #tpu.memory_space<hbm>>) dst(%dma_wait3A_383 : memref<64x128xf32, #tpu.memory_space<vmem>>)
      %add3A_390 = arith.constant 0 : i32
      %add3A_391 = arith.addi %mul3A_172, %add3A_390 : i32
      %add3A_392 = arith.constant 64 : i32
      %add3A_393 = arith.addi %mul3A_2, %add3A_392 : i32
      %dma_start3A_394 = arith.constant 1 : i32
      %dma_start3A_395 = arith.constant 0 : i32
      %dma_start3A_396 = arith.constant 0 : i32
      %dma_start3A_397 = tpu.memref_slice %arg6[%dma_start3A_394, %dma_start3A_395, %dma_start3A_396] : memref<10x64x128xf32, #tpu.memory_space<vmem>> -> memref<1x64x128xf32, #tpu.memory_space<vmem>>
      %dma_start3A_398 = tpu.memref_squeeze %dma_start3A_397 : memref<1x64x128xf32, #tpu.memory_space<vmem>> -> memref<64x128xf32, #tpu.memory_space<vmem>>
      %dma_start3A_399 = arith.constant 0 : i32
      %dma_start3A_400 = tpu.memref_slice %arg4[%add3A_391, %add3A_393, %dma_start3A_399] : memref<50x4096x128xf32, #tpu.memory_space<hbm>> -> memref<1x64x128xf32, #tpu.memory_space<hbm>>
      %dma_start3A_401 = tpu.memref_squeeze %dma_start3A_400 : memref<1x64x128xf32, #tpu.memory_space<hbm>> -> memref<64x128xf32, #tpu.memory_space<hbm>>
      %dma_start3A_402 = arith.constant 0 : i32
      %dma_start3A_403 = tpu.memref_slice %arg4[%add3A_391, %add3A_393, %dma_start3A_402] : memref<50x4096x128xf32, #tpu.memory_space<hbm>> -> memref<1x64x128xf32, #tpu.memory_space<hbm>>
      %dma_start3A_404 = tpu.memref_squeeze %dma_start3A_403 : memref<1x64x128xf32, #tpu.memory_space<hbm>> -> memref<64x128xf32, #tpu.memory_space<hbm>>
      %dma_start3A_405 = arith.constant 0 : i32
      %dma_start3A_406 = arith.constant 0 : i32
      %dma_start3A_407 = tpu.memref_slice %arg6[%dma_start3A_394, %dma_start3A_405, %dma_start3A_406] : memref<10x64x128xf32, #tpu.memory_space<vmem>> -> memref<1x64x128xf32, #tpu.memory_space<vmem>>
      %dma_start3A_408 = tpu.memref_squeeze %dma_start3A_407 : memref<1x64x128xf32, #tpu.memory_space<vmem>> -> memref<64x128xf32, #tpu.memory_space<vmem>>
      tpu.enqueue_dma source(%dma_start3A_408 : memref<64x128xf32, #tpu.memory_space<vmem>>) target(%dma_start3A_404 : memref<64x128xf32, #tpu.memory_space<hbm>>) target_semaphore(%arg18 : memref<!tpu.dma_semaphore, #tpu.memory_space<semaphore_mem>>)
      %dma_wait3A_409 = arith.constant 2 : i32
      %dma_wait3A_410 = arith.constant 0 : i32
      %dma_wait3A_411 = arith.constant 0 : i32
      %dma_wait3A_412 = tpu.memref_slice %arg6[%dma_wait3A_409, %dma_wait3A_410, %dma_wait3A_411] : memref<10x64x128xf32, #tpu.memory_space<vmem>> -> memref<1x64x128xf32, #tpu.memory_space<vmem>>
      %dma_wait3A_413 = tpu.memref_squeeze %dma_wait3A_412 : memref<1x64x128xf32, #tpu.memory_space<vmem>> -> memref<64x128xf32, #tpu.memory_space<vmem>>
      %dma_wait3A_414 = arith.constant 0 : i32
      %dma_wait3A_415 = tpu.memref_slice %arg5[%add3A_206, %dma_wait3A_414] : memref<50x128xi32, #tpu.memory_space<vmem>> -> memref<1x64xi32, #tpu.memory_space<vmem>>
      %dma_wait3A_416 = tpu.memref_squeeze %dma_wait3A_415 : memref<1x64xi32, #tpu.memory_space<vmem>> -> memref<64xi32, #tpu.memory_space<vmem>>
      %dma_wait3A_417 = arith.constant 0 : i32
      %dma_wait3A_418 = arith.constant 0 : i32
      %dma_wait3A_419 = tpu.memref_slice %arg3[%dma_wait3A_417, %dma_wait3A_418] : memref<100000x128xf32, #tpu.memory_space<hbm>> -> memref<100000x128xf32, #tpu.memory_space<hbm>>
      tpu.wait_indirect_dma semaphore(%arg9 : memref<!tpu.dma_semaphore, #tpu.memory_space<semaphore_mem>>) src(%dma_wait3A_419 : memref<100000x128xf32, #tpu.memory_space<hbm>>) dst(%dma_wait3A_413 : memref<64x128xf32, #tpu.memory_space<vmem>>)
      %add3A_420 = arith.constant 1 : i32
      %add3A_421 = arith.addi %mul3A_172, %add3A_420 : i32
      %add3A_422 = arith.constant 0 : i32
      %add3A_423 = arith.addi %mul3A_2, %add3A_422 : i32
      %dma_start3A_424 = arith.constant 2 : i32
      %dma_start3A_425 = arith.constant 0 : i32
      %dma_start3A_426 = arith.constant 0 : i32
      %dma_start3A_427 = tpu.memref_slice %arg6[%dma_start3A_424, %dma_start3A_425, %dma_start3A_426] : memref<10x64x128xf32, #tpu.memory_space<vmem>> -> memref<1x64x128xf32, #tpu.memory_space<vmem>>
      %dma_start3A_428 = tpu.memref_squeeze %dma_start3A_427 : memref<1x64x128xf32, #tpu.memory_space<vmem>> -> memref<64x128xf32, #tpu.memory_space<vmem>>
      %dma_start3A_429 = arith.constant 0 : i32
      %dma_start3A_430 = tpu.memref_slice %arg4[%add3A_421, %add3A_423, %dma_start3A_429] : memref<50x4096x128xf32, #tpu.memory_space<hbm>> -> memref<1x64x128xf32, #tpu.memory_space<hbm>>
      %dma_start3A_431 = tpu.memref_squeeze %dma_start3A_430 : memref<1x64x128xf32, #tpu.memory_space<hbm>> -> memref<64x128xf32, #tpu.memory_space<hbm>>
      %dma_start3A_432 = arith.constant 0 : i32
      %dma_start3A_433 = tpu.memref_slice %arg4[%add3A_421, %add3A_423, %dma_start3A_432] : memref<50x4096x128xf32, #tpu.memory_space<hbm>> -> memref<1x64x128xf32, #tpu.memory_space<hbm>>
      %dma_start3A_434 = tpu.memref_squeeze %dma_start3A_433 : memref<1x64x128xf32, #tpu.memory_space<hbm>> -> memref<64x128xf32, #tpu.memory_space<hbm>>
      %dma_start3A_435 = arith.constant 0 : i32
      %dma_start3A_436 = arith.constant 0 : i32
      %dma_start3A_437 = tpu.memref_slice %arg6[%dma_start3A_424, %dma_start3A_435, %dma_start3A_436] : memref<10x64x128xf32, #tpu.memory_space<vmem>> -> memref<1x64x128xf32, #tpu.memory_space<vmem>>
      %dma_start3A_438 = tpu.memref_squeeze %dma_start3A_437 : memref<1x64x128xf32, #tpu.memory_space<vmem>> -> memref<64x128xf32, #tpu.memory_space<vmem>>
      tpu.enqueue_dma source(%dma_start3A_438 : memref<64x128xf32, #tpu.memory_space<vmem>>) target(%dma_start3A_434 : memref<64x128xf32, #tpu.memory_space<hbm>>) target_semaphore(%arg19 : memref<!tpu.dma_semaphore, #tpu.memory_space<semaphore_mem>>)
      %dma_wait3A_439 = arith.constant 3 : i32
      %dma_wait3A_440 = arith.constant 0 : i32
      %dma_wait3A_441 = arith.constant 0 : i32
      %dma_wait3A_442 = tpu.memref_slice %arg6[%dma_wait3A_439, %dma_wait3A_440, %dma_wait3A_441] : memref<10x64x128xf32, #tpu.memory_space<vmem>> -> memref<1x64x128xf32, #tpu.memory_space<vmem>>
      %dma_wait3A_443 = tpu.memref_squeeze %dma_wait3A_442 : memref<1x64x128xf32, #tpu.memory_space<vmem>> -> memref<64x128xf32, #tpu.memory_space<vmem>>
      %dma_wait3A_444 = arith.constant 64 : i32
      %dma_wait3A_445 = tpu.memref_slice %arg5[%add3A_224, %dma_wait3A_444] : memref<50x128xi32, #tpu.memory_space<vmem>> -> memref<1x64xi32, #tpu.memory_space<vmem>>
      %dma_wait3A_446 = tpu.memref_squeeze %dma_wait3A_445 : memref<1x64xi32, #tpu.memory_space<vmem>> -> memref<64xi32, #tpu.memory_space<vmem>>
      %dma_wait3A_447 = arith.constant 0 : i32
      %dma_wait3A_448 = arith.constant 0 : i32
      %dma_wait3A_449 = tpu.memref_slice %arg3[%dma_wait3A_447, %dma_wait3A_448] : memref<100000x128xf32, #tpu.memory_space<hbm>> -> memref<100000x128xf32, #tpu.memory_space<hbm>>
      tpu.wait_indirect_dma semaphore(%arg10 : memref<!tpu.dma_semaphore, #tpu.memory_space<semaphore_mem>>) src(%dma_wait3A_449 : memref<100000x128xf32, #tpu.memory_space<hbm>>) dst(%dma_wait3A_443 : memref<64x128xf32, #tpu.memory_space<vmem>>)
      %add3A_450 = arith.constant 1 : i32
      %add3A_451 = arith.addi %mul3A_172, %add3A_450 : i32
      %add3A_452 = arith.constant 64 : i32
      %add3A_453 = arith.addi %mul3A_2, %add3A_452 : i32
      %dma_start3A_454 = arith.constant 3 : i32
      %dma_start3A_455 = arith.constant 0 : i32
      %dma_start3A_456 = arith.constant 0 : i32
      %dma_start3A_457 = tpu.memref_slice %arg6[%dma_start3A_454, %dma_start3A_455, %dma_start3A_456] : memref<10x64x128xf32, #tpu.memory_space<vmem>> -> memref<1x64x128xf32, #tpu.memory_space<vmem>>
      %dma_start3A_458 = tpu.memref_squeeze %dma_start3A_457 : memref<1x64x128xf32, #tpu.memory_space<vmem>> -> memref<64x128xf32, #tpu.memory_space<vmem>>
      %dma_start3A_459 = arith.constant 0 : i32
      %dma_start3A_460 = tpu.memref_slice %arg4[%add3A_451, %add3A_453, %dma_start3A_459] : memref<50x4096x128xf32, #tpu.memory_space<hbm>> -> memref<1x64x128xf32, #tpu.memory_space<hbm>>
      %dma_start3A_461 = tpu.memref_squeeze %dma_start3A_460 : memref<1x64x128xf32, #tpu.memory_space<hbm>> -> memref<64x128xf32, #tpu.memory_space<hbm>>
      %dma_start3A_462 = arith.constant 0 : i32
      %dma_start3A_463 = tpu.memref_slice %arg4[%add3A_451, %add3A_453, %dma_start3A_462] : memref<50x4096x128xf32, #tpu.memory_space<hbm>> -> memref<1x64x128xf32, #tpu.memory_space<hbm>>
      %dma_start3A_464 = tpu.memref_squeeze %dma_start3A_463 : memref<1x64x128xf32, #tpu.memory_space<hbm>> -> memref<64x128xf32, #tpu.memory_space<hbm>>
      %dma_start3A_465 = arith.constant 0 : i32
      %dma_start3A_466 = arith.constant 0 : i32
      %dma_start3A_467 = tpu.memref_slice %arg6[%dma_start3A_454, %dma_start3A_465, %dma_start3A_466] : memref<10x64x128xf32, #tpu.memory_space<vmem>> -> memref<1x64x128xf32, #tpu.memory_space<vmem>>
      %dma_start3A_468 = tpu.memref_squeeze %dma_start3A_467 : memref<1x64x128xf32, #tpu.memory_space<vmem>> -> memref<64x128xf32, #tpu.memory_space<vmem>>
      tpu.enqueue_dma source(%dma_start3A_468 : memref<64x128xf32, #tpu.memory_space<vmem>>) target(%dma_start3A_464 : memref<64x128xf32, #tpu.memory_space<hbm>>) target_semaphore(%arg20 : memref<!tpu.dma_semaphore, #tpu.memory_space<semaphore_mem>>)
      %dma_wait3A_469 = arith.constant 4 : i32
      %dma_wait3A_470 = arith.constant 0 : i32
      %dma_wait3A_471 = arith.constant 0 : i32
      %dma_wait3A_472 = tpu.memref_slice %arg6[%dma_wait3A_469, %dma_wait3A_470, %dma_wait3A_471] : memref<10x64x128xf32, #tpu.memory_space<vmem>> -> memref<1x64x128xf32, #tpu.memory_space<vmem>>
      %dma_wait3A_473 = tpu.memref_squeeze %dma_wait3A_472 : memref<1x64x128xf32, #tpu.memory_space<vmem>> -> memref<64x128xf32, #tpu.memory_space<vmem>>
      %dma_wait3A_474 = arith.constant 0 : i32
      %dma_wait3A_475 = tpu.memref_slice %arg5[%add3A_242, %dma_wait3A_474] : memref<50x128xi32, #tpu.memory_space<vmem>> -> memref<1x64xi32, #tpu.memory_space<vmem>>
      %dma_wait3A_476 = tpu.memref_squeeze %dma_wait3A_475 : memref<1x64xi32, #tpu.memory_space<vmem>> -> memref<64xi32, #tpu.memory_space<vmem>>
      %dma_wait3A_477 = arith.constant 0 : i32
      %dma_wait3A_478 = arith.constant 0 : i32
      %dma_wait3A_479 = tpu.memref_slice %arg3[%dma_wait3A_477, %dma_wait3A_478] : memref<100000x128xf32, #tpu.memory_space<hbm>> -> memref<100000x128xf32, #tpu.memory_space<hbm>>
      tpu.wait_indirect_dma semaphore(%arg11 : memref<!tpu.dma_semaphore, #tpu.memory_space<semaphore_mem>>) src(%dma_wait3A_479 : memref<100000x128xf32, #tpu.memory_space<hbm>>) dst(%dma_wait3A_473 : memref<64x128xf32, #tpu.memory_space<vmem>>)
      %add3A_480 = arith.constant 2 : i32
      %add3A_481 = arith.addi %mul3A_172, %add3A_480 : i32
      %add3A_482 = arith.constant 0 : i32
      %add3A_483 = arith.addi %mul3A_2, %add3A_482 : i32
      %dma_start3A_484 = arith.constant 4 : i32
      %dma_start3A_485 = arith.constant 0 : i32
      %dma_start3A_486 = arith.constant 0 : i32
      %dma_start3A_487 = tpu.memref_slice %arg6[%dma_start3A_484, %dma_start3A_485, %dma_start3A_486] : memref<10x64x128xf32, #tpu.memory_space<vmem>> -> memref<1x64x128xf32, #tpu.memory_space<vmem>>
      %dma_start3A_488 = tpu.memref_squeeze %dma_start3A_487 : memref<1x64x128xf32, #tpu.memory_space<vmem>> -> memref<64x128xf32, #tpu.memory_space<vmem>>
      %dma_start3A_489 = arith.constant 0 : i32
      %dma_start3A_490 = tpu.memref_slice %arg4[%add3A_481, %add3A_483, %dma_start3A_489] : memref<50x4096x128xf32, #tpu.memory_space<hbm>> -> memref<1x64x128xf32, #tpu.memory_space<hbm>>
      %dma_start3A_491 = tpu.memref_squeeze %dma_start3A_490 : memref<1x64x128xf32, #tpu.memory_space<hbm>> -> memref<64x128xf32, #tpu.memory_space<hbm>>
      %dma_start3A_492 = arith.constant 0 : i32
      %dma_start3A_493 = tpu.memref_slice %arg4[%add3A_481, %add3A_483, %dma_start3A_492] : memref<50x4096x128xf32, #tpu.memory_space<hbm>> -> memref<1x64x128xf32, #tpu.memory_space<hbm>>
      %dma_start3A_494 = tpu.memref_squeeze %dma_start3A_493 : memref<1x64x128xf32, #tpu.memory_space<hbm>> -> memref<64x128xf32, #tpu.memory_space<hbm>>
      %dma_start3A_495 = arith.constant 0 : i32
      %dma_start3A_496 = arith.constant 0 : i32
      %dma_start3A_497 = tpu.memref_slice %arg6[%dma_start3A_484, %dma_start3A_495, %dma_start3A_496] : memref<10x64x128xf32, #tpu.memory_space<vmem>> -> memref<1x64x128xf32, #tpu.memory_space<vmem>>
      %dma_start3A_498 = tpu.memref_squeeze %dma_start3A_497 : memref<1x64x128xf32, #tpu.memory_space<vmem>> -> memref<64x128xf32, #tpu.memory_space<vmem>>
      tpu.enqueue_dma source(%dma_start3A_498 : memref<64x128xf32, #tpu.memory_space<vmem>>) target(%dma_start3A_494 : memref<64x128xf32, #tpu.memory_space<hbm>>) target_semaphore(%arg21 : memref<!tpu.dma_semaphore, #tpu.memory_space<semaphore_mem>>)
      %dma_wait3A_499 = arith.constant 5 : i32
      %dma_wait3A_500 = arith.constant 0 : i32
      %dma_wait3A_501 = arith.constant 0 : i32
      %dma_wait3A_502 = tpu.memref_slice %arg6[%dma_wait3A_499, %dma_wait3A_500, %dma_wait3A_501] : memref<10x64x128xf32, #tpu.memory_space<vmem>> -> memref<1x64x128xf32, #tpu.memory_space<vmem>>
      %dma_wait3A_503 = tpu.memref_squeeze %dma_wait3A_502 : memref<1x64x128xf32, #tpu.memory_space<vmem>> -> memref<64x128xf32, #tpu.memory_space<vmem>>
      %dma_wait3A_504 = arith.constant 64 : i32
      %dma_wait3A_505 = tpu.memref_slice %arg5[%add3A_260, %dma_wait3A_504] : memref<50x128xi32, #tpu.memory_space<vmem>> -> memref<1x64xi32, #tpu.memory_space<vmem>>
      %dma_wait3A_506 = tpu.memref_squeeze %dma_wait3A_505 : memref<1x64xi32, #tpu.memory_space<vmem>> -> memref<64xi32, #tpu.memory_space<vmem>>
      %dma_wait3A_507 = arith.constant 0 : i32
      %dma_wait3A_508 = arith.constant 0 : i32
      %dma_wait3A_509 = tpu.memref_slice %arg3[%dma_wait3A_507, %dma_wait3A_508] : memref<100000x128xf32, #tpu.memory_space<hbm>> -> memref<100000x128xf32, #tpu.memory_space<hbm>>
      tpu.wait_indirect_dma semaphore(%arg12 : memref<!tpu.dma_semaphore, #tpu.memory_space<semaphore_mem>>) src(%dma_wait3A_509 : memref<100000x128xf32, #tpu.memory_space<hbm>>) dst(%dma_wait3A_503 : memref<64x128xf32, #tpu.memory_space<vmem>>)
      %add3A_510 = arith.constant 2 : i32
      %add3A_511 = arith.addi %mul3A_172, %add3A_510 : i32
      %add3A_512 = arith.constant 64 : i32
      %add3A_513 = arith.addi %mul3A_2, %add3A_512 : i32
      %dma_start3A_514 = arith.constant 5 : i32
      %dma_start3A_515 = arith.constant 0 : i32
      %dma_start3A_516 = arith.constant 0 : i32
      %dma_start3A_517 = tpu.memref_slice %arg6[%dma_start3A_514, %dma_start3A_515, %dma_start3A_516] : memref<10x64x128xf32, #tpu.memory_space<vmem>> -> memref<1x64x128xf32, #tpu.memory_space<vmem>>
      %dma_start3A_518 = tpu.memref_squeeze %dma_start3A_517 : memref<1x64x128xf32, #tpu.memory_space<vmem>> -> memref<64x128xf32, #tpu.memory_space<vmem>>
      %dma_start3A_519 = arith.constant 0 : i32
      %dma_start3A_520 = tpu.memref_slice %arg4[%add3A_511, %add3A_513, %dma_start3A_519] : memref<50x4096x128xf32, #tpu.memory_space<hbm>> -> memref<1x64x128xf32, #tpu.memory_space<hbm>>
      %dma_start3A_521 = tpu.memref_squeeze %dma_start3A_520 : memref<1x64x128xf32, #tpu.memory_space<hbm>> -> memref<64x128xf32, #tpu.memory_space<hbm>>
      %dma_start3A_522 = arith.constant 0 : i32
      %dma_start3A_523 = tpu.memref_slice %arg4[%add3A_511, %add3A_513, %dma_start3A_522] : memref<50x4096x128xf32, #tpu.memory_space<hbm>> -> memref<1x64x128xf32, #tpu.memory_space<hbm>>
      %dma_start3A_524 = tpu.memref_squeeze %dma_start3A_523 : memref<1x64x128xf32, #tpu.memory_space<hbm>> -> memref<64x128xf32, #tpu.memory_space<hbm>>
      %dma_start3A_525 = arith.constant 0 : i32
      %dma_start3A_526 = arith.constant 0 : i32
      %dma_start3A_527 = tpu.memref_slice %arg6[%dma_start3A_514, %dma_start3A_525, %dma_start3A_526] : memref<10x64x128xf32, #tpu.memory_space<vmem>> -> memref<1x64x128xf32, #tpu.memory_space<vmem>>
      %dma_start3A_528 = tpu.memref_squeeze %dma_start3A_527 : memref<1x64x128xf32, #tpu.memory_space<vmem>> -> memref<64x128xf32, #tpu.memory_space<vmem>>
      tpu.enqueue_dma source(%dma_start3A_528 : memref<64x128xf32, #tpu.memory_space<vmem>>) target(%dma_start3A_524 : memref<64x128xf32, #tpu.memory_space<hbm>>) target_semaphore(%arg22 : memref<!tpu.dma_semaphore, #tpu.memory_space<semaphore_mem>>)
      %dma_wait3A_529 = arith.constant 6 : i32
      %dma_wait3A_530 = arith.constant 0 : i32
      %dma_wait3A_531 = arith.constant 0 : i32
      %dma_wait3A_532 = tpu.memref_slice %arg6[%dma_wait3A_529, %dma_wait3A_530, %dma_wait3A_531] : memref<10x64x128xf32, #tpu.memory_space<vmem>> -> memref<1x64x128xf32, #tpu.memory_space<vmem>>
      %dma_wait3A_533 = tpu.memref_squeeze %dma_wait3A_532 : memref<1x64x128xf32, #tpu.memory_space<vmem>> -> memref<64x128xf32, #tpu.memory_space<vmem>>
      %dma_wait3A_534 = arith.constant 0 : i32
      %dma_wait3A_535 = tpu.memref_slice %arg5[%add3A_278, %dma_wait3A_534] : memref<50x128xi32, #tpu.memory_space<vmem>> -> memref<1x64xi32, #tpu.memory_space<vmem>>
      %dma_wait3A_536 = tpu.memref_squeeze %dma_wait3A_535 : memref<1x64xi32, #tpu.memory_space<vmem>> -> memref<64xi32, #tpu.memory_space<vmem>>
      %dma_wait3A_537 = arith.constant 0 : i32
      %dma_wait3A_538 = arith.constant 0 : i32
      %dma_wait3A_539 = tpu.memref_slice %arg3[%dma_wait3A_537, %dma_wait3A_538] : memref<100000x128xf32, #tpu.memory_space<hbm>> -> memref<100000x128xf32, #tpu.memory_space<hbm>>
      tpu.wait_indirect_dma semaphore(%arg13 : memref<!tpu.dma_semaphore, #tpu.memory_space<semaphore_mem>>) src(%dma_wait3A_539 : memref<100000x128xf32, #tpu.memory_space<hbm>>) dst(%dma_wait3A_533 : memref<64x128xf32, #tpu.memory_space<vmem>>)
      %add3A_540 = arith.constant 3 : i32
      %add3A_541 = arith.addi %mul3A_172, %add3A_540 : i32
      %add3A_542 = arith.constant 0 : i32
      %add3A_543 = arith.addi %mul3A_2, %add3A_542 : i32
      %dma_start3A_544 = arith.constant 6 : i32
      %dma_start3A_545 = arith.constant 0 : i32
      %dma_start3A_546 = arith.constant 0 : i32
      %dma_start3A_547 = tpu.memref_slice %arg6[%dma_start3A_544, %dma_start3A_545, %dma_start3A_546] : memref<10x64x128xf32, #tpu.memory_space<vmem>> -> memref<1x64x128xf32, #tpu.memory_space<vmem>>
      %dma_start3A_548 = tpu.memref_squeeze %dma_start3A_547 : memref<1x64x128xf32, #tpu.memory_space<vmem>> -> memref<64x128xf32, #tpu.memory_space<vmem>>
      %dma_start3A_549 = arith.constant 0 : i32
      %dma_start3A_550 = tpu.memref_slice %arg4[%add3A_541, %add3A_543, %dma_start3A_549] : memref<50x4096x128xf32, #tpu.memory_space<hbm>> -> memref<1x64x128xf32, #tpu.memory_space<hbm>>
      %dma_start3A_551 = tpu.memref_squeeze %dma_start3A_550 : memref<1x64x128xf32, #tpu.memory_space<hbm>> -> memref<64x128xf32, #tpu.memory_space<hbm>>
      %dma_start3A_552 = arith.constant 0 : i32
      %dma_start3A_553 = tpu.memref_slice %arg4[%add3A_541, %add3A_543, %dma_start3A_552] : memref<50x4096x128xf32, #tpu.memory_space<hbm>> -> memref<1x64x128xf32, #tpu.memory_space<hbm>>
      %dma_start3A_554 = tpu.memref_squeeze %dma_start3A_553 : memref<1x64x128xf32, #tpu.memory_space<hbm>> -> memref<64x128xf32, #tpu.memory_space<hbm>>
      %dma_start3A_555 = arith.constant 0 : i32
      %dma_start3A_556 = arith.constant 0 : i32
      %dma_start3A_557 = tpu.memref_slice %arg6[%dma_start3A_544, %dma_start3A_555, %dma_start3A_556] : memref<10x64x128xf32, #tpu.memory_space<vmem>> -> memref<1x64x128xf32, #tpu.memory_space<vmem>>
      %dma_start3A_558 = tpu.memref_squeeze %dma_start3A_557 : memref<1x64x128xf32, #tpu.memory_space<vmem>> -> memref<64x128xf32, #tpu.memory_space<vmem>>
      tpu.enqueue_dma source(%dma_start3A_558 : memref<64x128xf32, #tpu.memory_space<vmem>>) target(%dma_start3A_554 : memref<64x128xf32, #tpu.memory_space<hbm>>) target_semaphore(%arg23 : memref<!tpu.dma_semaphore, #tpu.memory_space<semaphore_mem>>)
      %dma_wait3A_559 = arith.constant 7 : i32
      %dma_wait3A_560 = arith.constant 0 : i32
      %dma_wait3A_561 = arith.constant 0 : i32
      %dma_wait3A_562 = tpu.memref_slice %arg6[%dma_wait3A_559, %dma_wait3A_560, %dma_wait3A_561] : memref<10x64x128xf32, #tpu.memory_space<vmem>> -> memref<1x64x128xf32, #tpu.memory_space<vmem>>
      %dma_wait3A_563 = tpu.memref_squeeze %dma_wait3A_562 : memref<1x64x128xf32, #tpu.memory_space<vmem>> -> memref<64x128xf32, #tpu.memory_space<vmem>>
      %dma_wait3A_564 = arith.constant 64 : i32
      %dma_wait3A_565 = tpu.memref_slice %arg5[%add3A_296, %dma_wait3A_564] : memref<50x128xi32, #tpu.memory_space<vmem>> -> memref<1x64xi32, #tpu.memory_space<vmem>>
      %dma_wait3A_566 = tpu.memref_squeeze %dma_wait3A_565 : memref<1x64xi32, #tpu.memory_space<vmem>> -> memref<64xi32, #tpu.memory_space<vmem>>
      %dma_wait3A_567 = arith.constant 0 : i32
      %dma_wait3A_568 = arith.constant 0 : i32
      %dma_wait3A_569 = tpu.memref_slice %arg3[%dma_wait3A_567, %dma_wait3A_568] : memref<100000x128xf32, #tpu.memory_space<hbm>> -> memref<100000x128xf32, #tpu.memory_space<hbm>>
      tpu.wait_indirect_dma semaphore(%arg14 : memref<!tpu.dma_semaphore, #tpu.memory_space<semaphore_mem>>) src(%dma_wait3A_569 : memref<100000x128xf32, #tpu.memory_space<hbm>>) dst(%dma_wait3A_563 : memref<64x128xf32, #tpu.memory_space<vmem>>)
      %add3A_570 = arith.constant 3 : i32
      %add3A_571 = arith.addi %mul3A_172, %add3A_570 : i32
      %add3A_572 = arith.constant 64 : i32
      %add3A_573 = arith.addi %mul3A_2, %add3A_572 : i32
      %dma_start3A_574 = arith.constant 7 : i32
      %dma_start3A_575 = arith.constant 0 : i32
      %dma_start3A_576 = arith.constant 0 : i32
      %dma_start3A_577 = tpu.memref_slice %arg6[%dma_start3A_574, %dma_start3A_575, %dma_start3A_576] : memref<10x64x128xf32, #tpu.memory_space<vmem>> -> memref<1x64x128xf32, #tpu.memory_space<vmem>>
      %dma_start3A_578 = tpu.memref_squeeze %dma_start3A_577 : memref<1x64x128xf32, #tpu.memory_space<vmem>> -> memref<64x128xf32, #tpu.memory_space<vmem>>
      %dma_start3A_579 = arith.constant 0 : i32
      %dma_start3A_580 = tpu.memref_slice %arg4[%add3A_571, %add3A_573, %dma_start3A_579] : memref<50x4096x128xf32, #tpu.memory_space<hbm>> -> memref<1x64x128xf32, #tpu.memory_space<hbm>>
      %dma_start3A_581 = tpu.memref_squeeze %dma_start3A_580 : memref<1x64x128xf32, #tpu.memory_space<hbm>> -> memref<64x128xf32, #tpu.memory_space<hbm>>
      %dma_start3A_582 = arith.constant 0 : i32
      %dma_start3A_583 = tpu.memref_slice %arg4[%add3A_571, %add3A_573, %dma_start3A_582] : memref<50x4096x128xf32, #tpu.memory_space<hbm>> -> memref<1x64x128xf32, #tpu.memory_space<hbm>>
      %dma_start3A_584 = tpu.memref_squeeze %dma_start3A_583 : memref<1x64x128xf32, #tpu.memory_space<hbm>> -> memref<64x128xf32, #tpu.memory_space<hbm>>
      %dma_start3A_585 = arith.constant 0 : i32
      %dma_start3A_586 = arith.constant 0 : i32
      %dma_start3A_587 = tpu.memref_slice %arg6[%dma_start3A_574, %dma_start3A_585, %dma_start3A_586] : memref<10x64x128xf32, #tpu.memory_space<vmem>> -> memref<1x64x128xf32, #tpu.memory_space<vmem>>
      %dma_start3A_588 = tpu.memref_squeeze %dma_start3A_587 : memref<1x64x128xf32, #tpu.memory_space<vmem>> -> memref<64x128xf32, #tpu.memory_space<vmem>>
      tpu.enqueue_dma source(%dma_start3A_588 : memref<64x128xf32, #tpu.memory_space<vmem>>) target(%dma_start3A_584 : memref<64x128xf32, #tpu.memory_space<hbm>>) target_semaphore(%arg24 : memref<!tpu.dma_semaphore, #tpu.memory_space<semaphore_mem>>)
      %dma_wait3A_589 = arith.constant 8 : i32
      %dma_wait3A_590 = arith.constant 0 : i32
      %dma_wait3A_591 = arith.constant 0 : i32
      %dma_wait3A_592 = tpu.memref_slice %arg6[%dma_wait3A_589, %dma_wait3A_590, %dma_wait3A_591] : memref<10x64x128xf32, #tpu.memory_space<vmem>> -> memref<1x64x128xf32, #tpu.memory_space<vmem>>
      %dma_wait3A_593 = tpu.memref_squeeze %dma_wait3A_592 : memref<1x64x128xf32, #tpu.memory_space<vmem>> -> memref<64x128xf32, #tpu.memory_space<vmem>>
      %dma_wait3A_594 = arith.constant 0 : i32
      %dma_wait3A_595 = tpu.memref_slice %arg5[%add3A_314, %dma_wait3A_594] : memref<50x128xi32, #tpu.memory_space<vmem>> -> memref<1x64xi32, #tpu.memory_space<vmem>>
      %dma_wait3A_596 = tpu.memref_squeeze %dma_wait3A_595 : memref<1x64xi32, #tpu.memory_space<vmem>> -> memref<64xi32, #tpu.memory_space<vmem>>
      %dma_wait3A_597 = arith.constant 0 : i32
      %dma_wait3A_598 = arith.constant 0 : i32
      %dma_wait3A_599 = tpu.memref_slice %arg3[%dma_wait3A_597, %dma_wait3A_598] : memref<100000x128xf32, #tpu.memory_space<hbm>> -> memref<100000x128xf32, #tpu.memory_space<hbm>>
      tpu.wait_indirect_dma semaphore(%arg15 : memref<!tpu.dma_semaphore, #tpu.memory_space<semaphore_mem>>) src(%dma_wait3A_599 : memref<100000x128xf32, #tpu.memory_space<hbm>>) dst(%dma_wait3A_593 : memref<64x128xf32, #tpu.memory_space<vmem>>)
      %add3A_600 = arith.constant 4 : i32
      %add3A_601 = arith.addi %mul3A_172, %add3A_600 : i32
      %add3A_602 = arith.constant 0 : i32
      %add3A_603 = arith.addi %mul3A_2, %add3A_602 : i32
      %dma_start3A_604 = arith.constant 8 : i32
      %dma_start3A_605 = arith.constant 0 : i32
      %dma_start3A_606 = arith.constant 0 : i32
      %dma_start3A_607 = tpu.memref_slice %arg6[%dma_start3A_604, %dma_start3A_605, %dma_start3A_606] : memref<10x64x128xf32, #tpu.memory_space<vmem>> -> memref<1x64x128xf32, #tpu.memory_space<vmem>>
      %dma_start3A_608 = tpu.memref_squeeze %dma_start3A_607 : memref<1x64x128xf32, #tpu.memory_space<vmem>> -> memref<64x128xf32, #tpu.memory_space<vmem>>
      %dma_start3A_609 = arith.constant 0 : i32
      %dma_start3A_610 = tpu.memref_slice %arg4[%add3A_601, %add3A_603, %dma_start3A_609] : memref<50x4096x128xf32, #tpu.memory_space<hbm>> -> memref<1x64x128xf32, #tpu.memory_space<hbm>>
      %dma_start3A_611 = tpu.memref_squeeze %dma_start3A_610 : memref<1x64x128xf32, #tpu.memory_space<hbm>> -> memref<64x128xf32, #tpu.memory_space<hbm>>
      %dma_start3A_612 = arith.constant 0 : i32
      %dma_start3A_613 = tpu.memref_slice %arg4[%add3A_601, %add3A_603, %dma_start3A_612] : memref<50x4096x128xf32, #tpu.memory_space<hbm>> -> memref<1x64x128xf32, #tpu.memory_space<hbm>>
      %dma_start3A_614 = tpu.memref_squeeze %dma_start3A_613 : memref<1x64x128xf32, #tpu.memory_space<hbm>> -> memref<64x128xf32, #tpu.memory_space<hbm>>
      %dma_start3A_615 = arith.constant 0 : i32
      %dma_start3A_616 = arith.constant 0 : i32
      %dma_start3A_617 = tpu.memref_slice %arg6[%dma_start3A_604, %dma_start3A_615, %dma_start3A_616] : memref<10x64x128xf32, #tpu.memory_space<vmem>> -> memref<1x64x128xf32, #tpu.memory_space<vmem>>
      %dma_start3A_618 = tpu.memref_squeeze %dma_start3A_617 : memref<1x64x128xf32, #tpu.memory_space<vmem>> -> memref<64x128xf32, #tpu.memory_space<vmem>>
      tpu.enqueue_dma source(%dma_start3A_618 : memref<64x128xf32, #tpu.memory_space<vmem>>) target(%dma_start3A_614 : memref<64x128xf32, #tpu.memory_space<hbm>>) target_semaphore(%arg25 : memref<!tpu.dma_semaphore, #tpu.memory_space<semaphore_mem>>)
      %dma_wait3A_619 = arith.constant 9 : i32
      %dma_wait3A_620 = arith.constant 0 : i32
      %dma_wait3A_621 = arith.constant 0 : i32
      %dma_wait3A_622 = tpu.memref_slice %arg6[%dma_wait3A_619, %dma_wait3A_620, %dma_wait3A_621] : memref<10x64x128xf32, #tpu.memory_space<vmem>> -> memref<1x64x128xf32, #tpu.memory_space<vmem>>
      %dma_wait3A_623 = tpu.memref_squeeze %dma_wait3A_622 : memref<1x64x128xf32, #tpu.memory_space<vmem>> -> memref<64x128xf32, #tpu.memory_space<vmem>>
      %dma_wait3A_624 = arith.constant 64 : i32
      %dma_wait3A_625 = tpu.memref_slice %arg5[%add3A_332, %dma_wait3A_624] : memref<50x128xi32, #tpu.memory_space<vmem>> -> memref<1x64xi32, #tpu.memory_space<vmem>>
      %dma_wait3A_626 = tpu.memref_squeeze %dma_wait3A_625 : memref<1x64xi32, #tpu.memory_space<vmem>> -> memref<64xi32, #tpu.memory_space<vmem>>
      %dma_wait3A_627 = arith.constant 0 : i32
      %dma_wait3A_628 = arith.constant 0 : i32
      %dma_wait3A_629 = tpu.memref_slice %arg3[%dma_wait3A_627, %dma_wait3A_628] : memref<100000x128xf32, #tpu.memory_space<hbm>> -> memref<100000x128xf32, #tpu.memory_space<hbm>>
      tpu.wait_indirect_dma semaphore(%arg16 : memref<!tpu.dma_semaphore, #tpu.memory_space<semaphore_mem>>) src(%dma_wait3A_629 : memref<100000x128xf32, #tpu.memory_space<hbm>>) dst(%dma_wait3A_623 : memref<64x128xf32, #tpu.memory_space<vmem>>)
      %add3A_630 = arith.constant 4 : i32
      %add3A_631 = arith.addi %mul3A_172, %add3A_630 : i32
      %add3A_632 = arith.constant 64 : i32
      %add3A_633 = arith.addi %mul3A_2, %add3A_632 : i32
      %dma_start3A_634 = arith.constant 9 : i32
      %dma_start3A_635 = arith.constant 0 : i32
      %dma_start3A_636 = arith.constant 0 : i32
      %dma_start3A_637 = tpu.memref_slice %arg6[%dma_start3A_634, %dma_start3A_635, %dma_start3A_636] : memref<10x64x128xf32, #tpu.memory_space<vmem>> -> memref<1x64x128xf32, #tpu.memory_space<vmem>>
      %dma_start3A_638 = tpu.memref_squeeze %dma_start3A_637 : memref<1x64x128xf32, #tpu.memory_space<vmem>> -> memref<64x128xf32, #tpu.memory_space<vmem>>
      %dma_start3A_639 = arith.constant 0 : i32
      %dma_start3A_640 = tpu.memref_slice %arg4[%add3A_631, %add3A_633, %dma_start3A_639] : memref<50x4096x128xf32, #tpu.memory_space<hbm>> -> memref<1x64x128xf32, #tpu.memory_space<hbm>>
      %dma_start3A_641 = tpu.memref_squeeze %dma_start3A_640 : memref<1x64x128xf32, #tpu.memory_space<hbm>> -> memref<64x128xf32, #tpu.memory_space<hbm>>
      %dma_start3A_642 = arith.constant 0 : i32
      %dma_start3A_643 = tpu.memref_slice %arg4[%add3A_631, %add3A_633, %dma_start3A_642] : memref<50x4096x128xf32, #tpu.memory_space<hbm>> -> memref<1x64x128xf32, #tpu.memory_space<hbm>>
      %dma_start3A_644 = tpu.memref_squeeze %dma_start3A_643 : memref<1x64x128xf32, #tpu.memory_space<hbm>> -> memref<64x128xf32, #tpu.memory_space<hbm>>
      %dma_start3A_645 = arith.constant 0 : i32
      %dma_start3A_646 = arith.constant 0 : i32
      %dma_start3A_647 = tpu.memref_slice %arg6[%dma_start3A_634, %dma_start3A_645, %dma_start3A_646] : memref<10x64x128xf32, #tpu.memory_space<vmem>> -> memref<1x64x128xf32, #tpu.memory_space<vmem>>
      %dma_start3A_648 = tpu.memref_squeeze %dma_start3A_647 : memref<1x64x128xf32, #tpu.memory_space<vmem>> -> memref<64x128xf32, #tpu.memory_space<vmem>>
      tpu.enqueue_dma source(%dma_start3A_648 : memref<64x128xf32, #tpu.memory_space<vmem>>) target(%dma_start3A_644 : memref<64x128xf32, #tpu.memory_space<hbm>>) target_semaphore(%arg26 : memref<!tpu.dma_semaphore, #tpu.memory_space<semaphore_mem>>)
    }
    %scan3A_6 = arith.constant 10 : i32
    %dma_wait3A = arith.constant 0 : i32
    %dma_wait3A_7 = arith.constant 0 : i32
    %dma_wait3A_8 = arith.constant 0 : i32
    %dma_wait3A_9 = arith.constant 0 : i32
    %dma_wait3A_10 = tpu.memref_slice %arg6[%dma_wait3A, %dma_wait3A_8, %dma_wait3A_9] : memref<10x64x128xf32, #tpu.memory_space<vmem>> -> memref<1x64x128xf32, #tpu.memory_space<vmem>>
    %dma_wait3A_11 = tpu.memref_squeeze %dma_wait3A_10 : memref<1x64x128xf32, #tpu.memory_space<vmem>> -> memref<64x128xf32, #tpu.memory_space<vmem>>
    %dma_wait3A_12 = arith.constant 0 : i32
    %dma_wait3A_13 = tpu.memref_slice %arg4[%dma_wait3A_7, %mul3A_2, %dma_wait3A_12] : memref<50x4096x128xf32, #tpu.memory_space<hbm>> -> memref<1x64x128xf32, #tpu.memory_space<hbm>>
    %dma_wait3A_14 = tpu.memref_squeeze %dma_wait3A_13 : memref<1x64x128xf32, #tpu.memory_space<hbm>> -> memref<64x128xf32, #tpu.memory_space<hbm>>
    %dma_wait3A_15 = arith.constant 0 : i32
    %dma_wait3A_16 = tpu.memref_slice %arg4[%dma_wait3A_7, %mul3A_2, %dma_wait3A_15] : memref<50x4096x128xf32, #tpu.memory_space<hbm>> -> memref<1x64x128xf32, #tpu.memory_space<hbm>>
    %dma_wait3A_17 = tpu.memref_squeeze %dma_wait3A_16 : memref<1x64x128xf32, #tpu.memory_space<hbm>> -> memref<64x128xf32, #tpu.memory_space<hbm>>
    %dma_wait3A_18 = arith.constant 0 : i32
    %dma_wait3A_19 = arith.constant 0 : i32
    %dma_wait3A_20 = tpu.memref_slice %arg6[%dma_wait3A, %dma_wait3A_18, %dma_wait3A_19] : memref<10x64x128xf32, #tpu.memory_space<vmem>> -> memref<1x64x128xf32, #tpu.memory_space<vmem>>
    %dma_wait3A_21 = tpu.memref_squeeze %dma_wait3A_20 : memref<1x64x128xf32, #tpu.memory_space<vmem>> -> memref<64x128xf32, #tpu.memory_space<vmem>>
    tpu.wait_dma2 semaphore(%arg17 : memref<!tpu.dma_semaphore, #tpu.memory_space<semaphore_mem>>) src(%dma_wait3A_21 : memref<64x128xf32, #tpu.memory_space<vmem>>) dst(%dma_wait3A_17 : memref<64x128xf32, #tpu.memory_space<hbm>>)
    %dma_wait3A_22 = arith.constant 1 : i32
    %dma_wait3A_23 = arith.constant 0 : i32
    %dma_wait3A_24 = arith.constant 0 : i32
    %dma_wait3A_25 = arith.constant 0 : i32
    %dma_wait3A_26 = tpu.memref_slice %arg6[%dma_wait3A_22, %dma_wait3A_24, %dma_wait3A_25] : memref<10x64x128xf32, #tpu.memory_space<vmem>> -> memref<1x64x128xf32, #tpu.memory_space<vmem>>
    %dma_wait3A_27 = tpu.memref_squeeze %dma_wait3A_26 : memref<1x64x128xf32, #tpu.memory_space<vmem>> -> memref<64x128xf32, #tpu.memory_space<vmem>>
    %dma_wait3A_28 = arith.constant 0 : i32
    %dma_wait3A_29 = tpu.memref_slice %arg4[%dma_wait3A_23, %mul3A_2, %dma_wait3A_28] : memref<50x4096x128xf32, #tpu.memory_space<hbm>> -> memref<1x64x128xf32, #tpu.memory_space<hbm>>
    %dma_wait3A_30 = tpu.memref_squeeze %dma_wait3A_29 : memref<1x64x128xf32, #tpu.memory_space<hbm>> -> memref<64x128xf32, #tpu.memory_space<hbm>>
    %dma_wait3A_31 = arith.constant 0 : i32
    %dma_wait3A_32 = tpu.memref_slice %arg4[%dma_wait3A_23, %mul3A_2, %dma_wait3A_31] : memref<50x4096x128xf32, #tpu.memory_space<hbm>> -> memref<1x64x128xf32, #tpu.memory_space<hbm>>
    %dma_wait3A_33 = tpu.memref_squeeze %dma_wait3A_32 : memref<1x64x128xf32, #tpu.memory_space<hbm>> -> memref<64x128xf32, #tpu.memory_space<hbm>>
    %dma_wait3A_34 = arith.constant 0 : i32
    %dma_wait3A_35 = arith.constant 0 : i32
    %dma_wait3A_36 = tpu.memref_slice %arg6[%dma_wait3A_22, %dma_wait3A_34, %dma_wait3A_35] : memref<10x64x128xf32, #tpu.memory_space<vmem>> -> memref<1x64x128xf32, #tpu.memory_space<vmem>>
    %dma_wait3A_37 = tpu.memref_squeeze %dma_wait3A_36 : memref<1x64x128xf32, #tpu.memory_space<vmem>> -> memref<64x128xf32, #tpu.memory_space<vmem>>
    tpu.wait_dma2 semaphore(%arg18 : memref<!tpu.dma_semaphore, #tpu.memory_space<semaphore_mem>>) src(%dma_wait3A_37 : memref<64x128xf32, #tpu.memory_space<vmem>>) dst(%dma_wait3A_33 : memref<64x128xf32, #tpu.memory_space<hbm>>)
    %dma_wait3A_38 = arith.constant 2 : i32
    %dma_wait3A_39 = arith.constant 0 : i32
    %dma_wait3A_40 = arith.constant 0 : i32
    %dma_wait3A_41 = arith.constant 0 : i32
    %dma_wait3A_42 = tpu.memref_slice %arg6[%dma_wait3A_38, %dma_wait3A_40, %dma_wait3A_41] : memref<10x64x128xf32, #tpu.memory_space<vmem>> -> memref<1x64x128xf32, #tpu.memory_space<vmem>>
    %dma_wait3A_43 = tpu.memref_squeeze %dma_wait3A_42 : memref<1x64x128xf32, #tpu.memory_space<vmem>> -> memref<64x128xf32, #tpu.memory_space<vmem>>
    %dma_wait3A_44 = arith.constant 0 : i32
    %dma_wait3A_45 = tpu.memref_slice %arg4[%dma_wait3A_39, %mul3A_2, %dma_wait3A_44] : memref<50x4096x128xf32, #tpu.memory_space<hbm>> -> memref<1x64x128xf32, #tpu.memory_space<hbm>>
    %dma_wait3A_46 = tpu.memref_squeeze %dma_wait3A_45 : memref<1x64x128xf32, #tpu.memory_space<hbm>> -> memref<64x128xf32, #tpu.memory_space<hbm>>
    %dma_wait3A_47 = arith.constant 0 : i32
    %dma_wait3A_48 = tpu.memref_slice %arg4[%dma_wait3A_39, %mul3A_2, %dma_wait3A_47] : memref<50x4096x128xf32, #tpu.memory_space<hbm>> -> memref<1x64x128xf32, #tpu.memory_space<hbm>>
    %dma_wait3A_49 = tpu.memref_squeeze %dma_wait3A_48 : memref<1x64x128xf32, #tpu.memory_space<hbm>> -> memref<64x128xf32, #tpu.memory_space<hbm>>
    %dma_wait3A_50 = arith.constant 0 : i32
    %dma_wait3A_51 = arith.constant 0 : i32
    %dma_wait3A_52 = tpu.memref_slice %arg6[%dma_wait3A_38, %dma_wait3A_50, %dma_wait3A_51] : memref<10x64x128xf32, #tpu.memory_space<vmem>> -> memref<1x64x128xf32, #tpu.memory_space<vmem>>
    %dma_wait3A_53 = tpu.memref_squeeze %dma_wait3A_52 : memref<1x64x128xf32, #tpu.memory_space<vmem>> -> memref<64x128xf32, #tpu.memory_space<vmem>>
    tpu.wait_dma2 semaphore(%arg19 : memref<!tpu.dma_semaphore, #tpu.memory_space<semaphore_mem>>) src(%dma_wait3A_53 : memref<64x128xf32, #tpu.memory_space<vmem>>) dst(%dma_wait3A_49 : memref<64x128xf32, #tpu.memory_space<hbm>>)
    %dma_wait3A_54 = arith.constant 3 : i32
    %dma_wait3A_55 = arith.constant 0 : i32
    %dma_wait3A_56 = arith.constant 0 : i32
    %dma_wait3A_57 = arith.constant 0 : i32
    %dma_wait3A_58 = tpu.memref_slice %arg6[%dma_wait3A_54, %dma_wait3A_56, %dma_wait3A_57] : memref<10x64x128xf32, #tpu.memory_space<vmem>> -> memref<1x64x128xf32, #tpu.memory_space<vmem>>
    %dma_wait3A_59 = tpu.memref_squeeze %dma_wait3A_58 : memref<1x64x128xf32, #tpu.memory_space<vmem>> -> memref<64x128xf32, #tpu.memory_space<vmem>>
    %dma_wait3A_60 = arith.constant 0 : i32
    %dma_wait3A_61 = tpu.memref_slice %arg4[%dma_wait3A_55, %mul3A_2, %dma_wait3A_60] : memref<50x4096x128xf32, #tpu.memory_space<hbm>> -> memref<1x64x128xf32, #tpu.memory_space<hbm>>
    %dma_wait3A_62 = tpu.memref_squeeze %dma_wait3A_61 : memref<1x64x128xf32, #tpu.memory_space<hbm>> -> memref<64x128xf32, #tpu.memory_space<hbm>>
    %dma_wait3A_63 = arith.constant 0 : i32
    %dma_wait3A_64 = tpu.memref_slice %arg4[%dma_wait3A_55, %mul3A_2, %dma_wait3A_63] : memref<50x4096x128xf32, #tpu.memory_space<hbm>> -> memref<1x64x128xf32, #tpu.memory_space<hbm>>
    %dma_wait3A_65 = tpu.memref_squeeze %dma_wait3A_64 : memref<1x64x128xf32, #tpu.memory_space<hbm>> -> memref<64x128xf32, #tpu.memory_space<hbm>>
    %dma_wait3A_66 = arith.constant 0 : i32
    %dma_wait3A_67 = arith.constant 0 : i32
    %dma_wait3A_68 = tpu.memref_slice %arg6[%dma_wait3A_54, %dma_wait3A_66, %dma_wait3A_67] : memref<10x64x128xf32, #tpu.memory_space<vmem>> -> memref<1x64x128xf32, #tpu.memory_space<vmem>>
    %dma_wait3A_69 = tpu.memref_squeeze %dma_wait3A_68 : memref<1x64x128xf32, #tpu.memory_space<vmem>> -> memref<64x128xf32, #tpu.memory_space<vmem>>
    tpu.wait_dma2 semaphore(%arg20 : memref<!tpu.dma_semaphore, #tpu.memory_space<semaphore_mem>>) src(%dma_wait3A_69 : memref<64x128xf32, #tpu.memory_space<vmem>>) dst(%dma_wait3A_65 : memref<64x128xf32, #tpu.memory_space<hbm>>)
    %dma_wait3A_70 = arith.constant 4 : i32
    %dma_wait3A_71 = arith.constant 0 : i32
    %dma_wait3A_72 = arith.constant 0 : i32
    %dma_wait3A_73 = arith.constant 0 : i32
    %dma_wait3A_74 = tpu.memref_slice %arg6[%dma_wait3A_70, %dma_wait3A_72, %dma_wait3A_73] : memref<10x64x128xf32, #tpu.memory_space<vmem>> -> memref<1x64x128xf32, #tpu.memory_space<vmem>>
    %dma_wait3A_75 = tpu.memref_squeeze %dma_wait3A_74 : memref<1x64x128xf32, #tpu.memory_space<vmem>> -> memref<64x128xf32, #tpu.memory_space<vmem>>
    %dma_wait3A_76 = arith.constant 0 : i32
    %dma_wait3A_77 = tpu.memref_slice %arg4[%dma_wait3A_71, %mul3A_2, %dma_wait3A_76] : memref<50x4096x128xf32, #tpu.memory_space<hbm>> -> memref<1x64x128xf32, #tpu.memory_space<hbm>>
    %dma_wait3A_78 = tpu.memref_squeeze %dma_wait3A_77 : memref<1x64x128xf32, #tpu.memory_space<hbm>> -> memref<64x128xf32, #tpu.memory_space<hbm>>
    %dma_wait3A_79 = arith.constant 0 : i32
    %dma_wait3A_80 = tpu.memref_slice %arg4[%dma_wait3A_71, %mul3A_2, %dma_wait3A_79] : memref<50x4096x128xf32, #tpu.memory_space<hbm>> -> memref<1x64x128xf32, #tpu.memory_space<hbm>>
    %dma_wait3A_81 = tpu.memref_squeeze %dma_wait3A_80 : memref<1x64x128xf32, #tpu.memory_space<hbm>> -> memref<64x128xf32, #tpu.memory_space<hbm>>
    %dma_wait3A_82 = arith.constant 0 : i32
    %dma_wait3A_83 = arith.constant 0 : i32
    %dma_wait3A_84 = tpu.memref_slice %arg6[%dma_wait3A_70, %dma_wait3A_82, %dma_wait3A_83] : memref<10x64x128xf32, #tpu.memory_space<vmem>> -> memref<1x64x128xf32, #tpu.memory_space<vmem>>
    %dma_wait3A_85 = tpu.memref_squeeze %dma_wait3A_84 : memref<1x64x128xf32, #tpu.memory_space<vmem>> -> memref<64x128xf32, #tpu.memory_space<vmem>>
    tpu.wait_dma2 semaphore(%arg21 : memref<!tpu.dma_semaphore, #tpu.memory_space<semaphore_mem>>) src(%dma_wait3A_85 : memref<64x128xf32, #tpu.memory_space<vmem>>) dst(%dma_wait3A_81 : memref<64x128xf32, #tpu.memory_space<hbm>>)
    %dma_wait3A_86 = arith.constant 5 : i32
    %dma_wait3A_87 = arith.constant 0 : i32
    %dma_wait3A_88 = arith.constant 0 : i32
    %dma_wait3A_89 = arith.constant 0 : i32
    %dma_wait3A_90 = tpu.memref_slice %arg6[%dma_wait3A_86, %dma_wait3A_88, %dma_wait3A_89] : memref<10x64x128xf32, #tpu.memory_space<vmem>> -> memref<1x64x128xf32, #tpu.memory_space<vmem>>
    %dma_wait3A_91 = tpu.memref_squeeze %dma_wait3A_90 : memref<1x64x128xf32, #tpu.memory_space<vmem>> -> memref<64x128xf32, #tpu.memory_space<vmem>>
    %dma_wait3A_92 = arith.constant 0 : i32
    %dma_wait3A_93 = tpu.memref_slice %arg4[%dma_wait3A_87, %mul3A_2, %dma_wait3A_92] : memref<50x4096x128xf32, #tpu.memory_space<hbm>> -> memref<1x64x128xf32, #tpu.memory_space<hbm>>
    %dma_wait3A_94 = tpu.memref_squeeze %dma_wait3A_93 : memref<1x64x128xf32, #tpu.memory_space<hbm>> -> memref<64x128xf32, #tpu.memory_space<hbm>>
    %dma_wait3A_95 = arith.constant 0 : i32
    %dma_wait3A_96 = tpu.memref_slice %arg4[%dma_wait3A_87, %mul3A_2, %dma_wait3A_95] : memref<50x4096x128xf32, #tpu.memory_space<hbm>> -> memref<1x64x128xf32, #tpu.memory_space<hbm>>
    %dma_wait3A_97 = tpu.memref_squeeze %dma_wait3A_96 : memref<1x64x128xf32, #tpu.memory_space<hbm>> -> memref<64x128xf32, #tpu.memory_space<hbm>>
    %dma_wait3A_98 = arith.constant 0 : i32
    %dma_wait3A_99 = arith.constant 0 : i32
    %dma_wait3A_100 = tpu.memref_slice %arg6[%dma_wait3A_86, %dma_wait3A_98, %dma_wait3A_99] : memref<10x64x128xf32, #tpu.memory_space<vmem>> -> memref<1x64x128xf32, #tpu.memory_space<vmem>>
    %dma_wait3A_101 = tpu.memref_squeeze %dma_wait3A_100 : memref<1x64x128xf32, #tpu.memory_space<vmem>> -> memref<64x128xf32, #tpu.memory_space<vmem>>
    tpu.wait_dma2 semaphore(%arg22 : memref<!tpu.dma_semaphore, #tpu.memory_space<semaphore_mem>>) src(%dma_wait3A_101 : memref<64x128xf32, #tpu.memory_space<vmem>>) dst(%dma_wait3A_97 : memref<64x128xf32, #tpu.memory_space<hbm>>)
    %dma_wait3A_102 = arith.constant 6 : i32
    %dma_wait3A_103 = arith.constant 0 : i32
    %dma_wait3A_104 = arith.constant 0 : i32
    %dma_wait3A_105 = arith.constant 0 : i32
    %dma_wait3A_106 = tpu.memref_slice %arg6[%dma_wait3A_102, %dma_wait3A_104, %dma_wait3A_105] : memref<10x64x128xf32, #tpu.memory_space<vmem>> -> memref<1x64x128xf32, #tpu.memory_space<vmem>>
    %dma_wait3A_107 = tpu.memref_squeeze %dma_wait3A_106 : memref<1x64x128xf32, #tpu.memory_space<vmem>> -> memref<64x128xf32, #tpu.memory_space<vmem>>
    %dma_wait3A_108 = arith.constant 0 : i32
    %dma_wait3A_109 = tpu.memref_slice %arg4[%dma_wait3A_103, %mul3A_2, %dma_wait3A_108] : memref<50x4096x128xf32, #tpu.memory_space<hbm>> -> memref<1x64x128xf32, #tpu.memory_space<hbm>>
    %dma_wait3A_110 = tpu.memref_squeeze %dma_wait3A_109 : memref<1x64x128xf32, #tpu.memory_space<hbm>> -> memref<64x128xf32, #tpu.memory_space<hbm>>
    %dma_wait3A_111 = arith.constant 0 : i32
    %dma_wait3A_112 = tpu.memref_slice %arg4[%dma_wait3A_103, %mul3A_2, %dma_wait3A_111] : memref<50x4096x128xf32, #tpu.memory_space<hbm>> -> memref<1x64x128xf32, #tpu.memory_space<hbm>>
    %dma_wait3A_113 = tpu.memref_squeeze %dma_wait3A_112 : memref<1x64x128xf32, #tpu.memory_space<hbm>> -> memref<64x128xf32, #tpu.memory_space<hbm>>
    %dma_wait3A_114 = arith.constant 0 : i32
    %dma_wait3A_115 = arith.constant 0 : i32
    %dma_wait3A_116 = tpu.memref_slice %arg6[%dma_wait3A_102, %dma_wait3A_114, %dma_wait3A_115] : memref<10x64x128xf32, #tpu.memory_space<vmem>> -> memref<1x64x128xf32, #tpu.memory_space<vmem>>
    %dma_wait3A_117 = tpu.memref_squeeze %dma_wait3A_116 : memref<1x64x128xf32, #tpu.memory_space<vmem>> -> memref<64x128xf32, #tpu.memory_space<vmem>>
    tpu.wait_dma2 semaphore(%arg23 : memref<!tpu.dma_semaphore, #tpu.memory_space<semaphore_mem>>) src(%dma_wait3A_117 : memref<64x128xf32, #tpu.memory_space<vmem>>) dst(%dma_wait3A_113 : memref<64x128xf32, #tpu.memory_space<hbm>>)
    %dma_wait3A_118 = arith.constant 7 : i32
    %dma_wait3A_119 = arith.constant 0 : i32
    %dma_wait3A_120 = arith.constant 0 : i32
    %dma_wait3A_121 = arith.constant 0 : i32
    %dma_wait3A_122 = tpu.memref_slice %arg6[%dma_wait3A_118, %dma_wait3A_120, %dma_wait3A_121] : memref<10x64x128xf32, #tpu.memory_space<vmem>> -> memref<1x64x128xf32, #tpu.memory_space<vmem>>
    %dma_wait3A_123 = tpu.memref_squeeze %dma_wait3A_122 : memref<1x64x128xf32, #tpu.memory_space<vmem>> -> memref<64x128xf32, #tpu.memory_space<vmem>>
    %dma_wait3A_124 = arith.constant 0 : i32
    %dma_wait3A_125 = tpu.memref_slice %arg4[%dma_wait3A_119, %mul3A_2, %dma_wait3A_124] : memref<50x4096x128xf32, #tpu.memory_space<hbm>> -> memref<1x64x128xf32, #tpu.memory_space<hbm>>
    %dma_wait3A_126 = tpu.memref_squeeze %dma_wait3A_125 : memref<1x64x128xf32, #tpu.memory_space<hbm>> -> memref<64x128xf32, #tpu.memory_space<hbm>>
    %dma_wait3A_127 = arith.constant 0 : i32
    %dma_wait3A_128 = tpu.memref_slice %arg4[%dma_wait3A_119, %mul3A_2, %dma_wait3A_127] : memref<50x4096x128xf32, #tpu.memory_space<hbm>> -> memref<1x64x128xf32, #tpu.memory_space<hbm>>
    %dma_wait3A_129 = tpu.memref_squeeze %dma_wait3A_128 : memref<1x64x128xf32, #tpu.memory_space<hbm>> -> memref<64x128xf32, #tpu.memory_space<hbm>>
    %dma_wait3A_130 = arith.constant 0 : i32
    %dma_wait3A_131 = arith.constant 0 : i32
    %dma_wait3A_132 = tpu.memref_slice %arg6[%dma_wait3A_118, %dma_wait3A_130, %dma_wait3A_131] : memref<10x64x128xf32, #tpu.memory_space<vmem>> -> memref<1x64x128xf32, #tpu.memory_space<vmem>>
    %dma_wait3A_133 = tpu.memref_squeeze %dma_wait3A_132 : memref<1x64x128xf32, #tpu.memory_space<vmem>> -> memref<64x128xf32, #tpu.memory_space<vmem>>
    tpu.wait_dma2 semaphore(%arg24 : memref<!tpu.dma_semaphore, #tpu.memory_space<semaphore_mem>>) src(%dma_wait3A_133 : memref<64x128xf32, #tpu.memory_space<vmem>>) dst(%dma_wait3A_129 : memref<64x128xf32, #tpu.memory_space<hbm>>)
    %dma_wait3A_134 = arith.constant 8 : i32
    %dma_wait3A_135 = arith.constant 0 : i32
    %dma_wait3A_136 = arith.constant 0 : i32
    %dma_wait3A_137 = arith.constant 0 : i32
    %dma_wait3A_138 = tpu.memref_slice %arg6[%dma_wait3A_134, %dma_wait3A_136, %dma_wait3A_137] : memref<10x64x128xf32, #tpu.memory_space<vmem>> -> memref<1x64x128xf32, #tpu.memory_space<vmem>>
    %dma_wait3A_139 = tpu.memref_squeeze %dma_wait3A_138 : memref<1x64x128xf32, #tpu.memory_space<vmem>> -> memref<64x128xf32, #tpu.memory_space<vmem>>
    %dma_wait3A_140 = arith.constant 0 : i32
    %dma_wait3A_141 = tpu.memref_slice %arg4[%dma_wait3A_135, %mul3A_2, %dma_wait3A_140] : memref<50x4096x128xf32, #tpu.memory_space<hbm>> -> memref<1x64x128xf32, #tpu.memory_space<hbm>>
    %dma_wait3A_142 = tpu.memref_squeeze %dma_wait3A_141 : memref<1x64x128xf32, #tpu.memory_space<hbm>> -> memref<64x128xf32, #tpu.memory_space<hbm>>
    %dma_wait3A_143 = arith.constant 0 : i32
    %dma_wait3A_144 = tpu.memref_slice %arg4[%dma_wait3A_135, %mul3A_2, %dma_wait3A_143] : memref<50x4096x128xf32, #tpu.memory_space<hbm>> -> memref<1x64x128xf32, #tpu.memory_space<hbm>>
    %dma_wait3A_145 = tpu.memref_squeeze %dma_wait3A_144 : memref<1x64x128xf32, #tpu.memory_space<hbm>> -> memref<64x128xf32, #tpu.memory_space<hbm>>
    %dma_wait3A_146 = arith.constant 0 : i32
    %dma_wait3A_147 = arith.constant 0 : i32
    %dma_wait3A_148 = tpu.memref_slice %arg6[%dma_wait3A_134, %dma_wait3A_146, %dma_wait3A_147] : memref<10x64x128xf32, #tpu.memory_space<vmem>> -> memref<1x64x128xf32, #tpu.memory_space<vmem>>
    %dma_wait3A_149 = tpu.memref_squeeze %dma_wait3A_148 : memref<1x64x128xf32, #tpu.memory_space<vmem>> -> memref<64x128xf32, #tpu.memory_space<vmem>>
    tpu.wait_dma2 semaphore(%arg25 : memref<!tpu.dma_semaphore, #tpu.memory_space<semaphore_mem>>) src(%dma_wait3A_149 : memref<64x128xf32, #tpu.memory_space<vmem>>) dst(%dma_wait3A_145 : memref<64x128xf32, #tpu.memory_space<hbm>>)
    %dma_wait3A_150 = arith.constant 9 : i32
    %dma_wait3A_151 = arith.constant 0 : i32
    %dma_wait3A_152 = arith.constant 0 : i32
    %dma_wait3A_153 = arith.constant 0 : i32
    %dma_wait3A_154 = tpu.memref_slice %arg6[%dma_wait3A_150, %dma_wait3A_152, %dma_wait3A_153] : memref<10x64x128xf32, #tpu.memory_space<vmem>> -> memref<1x64x128xf32, #tpu.memory_space<vmem>>
    %dma_wait3A_155 = tpu.memref_squeeze %dma_wait3A_154 : memref<1x64x128xf32, #tpu.memory_space<vmem>> -> memref<64x128xf32, #tpu.memory_space<vmem>>
    %dma_wait3A_156 = arith.constant 0 : i32
    %dma_wait3A_157 = tpu.memref_slice %arg4[%dma_wait3A_151, %mul3A_2, %dma_wait3A_156] : memref<50x4096x128xf32, #tpu.memory_space<hbm>> -> memref<1x64x128xf32, #tpu.memory_space<hbm>>
    %dma_wait3A_158 = tpu.memref_squeeze %dma_wait3A_157 : memref<1x64x128xf32, #tpu.memory_space<hbm>> -> memref<64x128xf32, #tpu.memory_space<hbm>>
    %dma_wait3A_159 = arith.constant 0 : i32
    %dma_wait3A_160 = tpu.memref_slice %arg4[%dma_wait3A_151, %mul3A_2, %dma_wait3A_159] : memref<50x4096x128xf32, #tpu.memory_space<hbm>> -> memref<1x64x128xf32, #tpu.memory_space<hbm>>
    %dma_wait3A_161 = tpu.memref_squeeze %dma_wait3A_160 : memref<1x64x128xf32, #tpu.memory_space<hbm>> -> memref<64x128xf32, #tpu.memory_space<hbm>>
    %dma_wait3A_162 = arith.constant 0 : i32
    %dma_wait3A_163 = arith.constant 0 : i32
    %dma_wait3A_164 = tpu.memref_slice %arg6[%dma_wait3A_150, %dma_wait3A_162, %dma_wait3A_163] : memref<10x64x128xf32, #tpu.memory_space<vmem>> -> memref<1x64x128xf32, #tpu.memory_space<vmem>>
    %dma_wait3A_165 = tpu.memref_squeeze %dma_wait3A_164 : memref<1x64x128xf32, #tpu.memory_space<vmem>> -> memref<64x128xf32, #tpu.memory_space<vmem>>
    tpu.wait_dma2 semaphore(%arg26 : memref<!tpu.dma_semaphore, #tpu.memory_space<semaphore_mem>>) src(%dma_wait3A_165 : memref<64x128xf32, #tpu.memory_space<vmem>>) dst(%dma_wait3A_161 : memref<64x128xf32, #tpu.memory_space<hbm>>)
    return
  }
}

</mosaic_0001>

<sc_bundles>
// kernel: kernel.3.cloned.1.call-start
scs
__scs_entry_jumppad:
0x0: {  	(pc) =	sbr.rel $0x88, $3  }
0x1: {  	(tag) =	ssettag $0x0;
	lr =	simm.s32 $0x1  }
0x2: {  	[smem:$0x3F9F] =	sst lr;
	_ =	strace $0xD0000000  }
0x3: {  	_ = 	snop  }
0x4: {  	_ = 	snop  }
0x5: {  	_ = 	snop  }
0x6: {  	_ = 	snop  }
0x7: {  	_ = 	snop  }
__scs_overlays_trampoline_lowered:
0x8: {  	[smem:$0x3FAE] =	sst s0  }
0x9: {  	[smem:$0x3FAF] =	sst s1  }
0xa: {  	[smem:$0x3FB0] =	sst s2  }
0xb: {  	[smem:$0x3FB1] =	sst s3  }
0xc: {  	[smem:$0x3FB2] =	sst s4  }
0xd: {  	[smem:$0x3FB3] =	sst s5  }
0xe: {  	[smem:$0x3FB4] =	sst s6  }
0xf: {  	[smem:$0x3FB5] =	sst s7  }
0x10: {  	[smem:$0x3FB6] =	sst s8  }
0x11: {  	[smem:$0x3FB7] =	sst s9;
	s0 =	simm.s32 @!p0 $0x0  }
0x12: {  	s1 =	sld [smem:$0x3F9D];
	s0 =	simm.s32 @p0 $0x1  }
0x13: {  	[smem:$0x3FB8] =	sst s0;
	s0 =	simm.s32 @!p1 $0x0  }
0x14: {  	s2 =	sld [smem:$0x3F9C];
	s0 =	simm.s32 @p1 $0x1  }
0x15: {  	[smem:$0x3FB9] =	sst s0;
	s0 =	simm.s32 @!p2 $0x0  }
0x16: {  	s3 =	sld [smem:$0x3FDB];
	s0 =	simm.s32 @p2 $0x1  }
0x17: {  	s4 =	simm.s32 $0x1BF5;
	[smem:$0x3FBB] =	sst s0  }
0x18: {  	s0 =	sld [smem:$0x3F9E];
	_ =	swait.ge [sflag:s4], $0x0  }
0x19: {  	s7 =	sld [smem:$0x3F9F]  }
0x1a: {  	s8 =	sadd.s32 $0xFFFFE003, lr  }
0x1b: {  	s9 =	sadd.s32 $0xFFFFFEF7, lr;
	s5 =	simm.s32 $0xFFFFFFFF;
	p2 =	slt.u32 s8, $0xFFFFF086  }
0x1c: {  	p1 =	slt.u32 s9, $0xF7A;
	s5 =	simm.s32 @!p2 $0x0  }
0x1d: {  	s5 =	simm.s32 @p1 $0x1;
	p0 =	seq.s32 s7, s2  }
0x1e: {  	s7 =	smul.u32 @!p0 $0xF7A, s2;
	p2 =	seq.s32 @!p0 s5, $0x0  }
0x1f: {  	s9 =	smul.u32 $0xF7A, s1;
	s8 =	simm.s32 @!p0 $0x1BF5;
	p2 =	por !p2, p0  }
0x20: {  	[sflag:s8] =	ssyncset.s32 @!p0 $0xFFFFF086;
	s6 =	sadd.s32 @!p0 s3, s7;
	s7 =	simm.s32 @!p0 $0x108  }
0x21: {  	s3 =	sadd.s32 s3, s9;
	s6 =	sadd.s32 @!p0 $0x88, s6;
	s7 =	simm.s32 @p2 $0x1082  }
0x22: {  	[simem:s7], [sflag:s8] =	dma.local @!p0 [hbm:s6], $0xF7A  }
0x23: {  	s9 =	sor.u32 $0xD0000000, s2;
	s6 =	simm.s32 $0x108;
	_ =	swait.ge @!p0 [sflag:s8], $0x0  }
0x24: {  	s3 =	sadd.s32 $0x88, s3;
	s6 =	simm.s32 @!p1 $0x1082;
	[sflag:s4] =	ssyncset.s32 $0xFFFFF086  }
0x25: {  	[simem:s6], [sflag:s4] =	dma.local [hbm:s3], $0xF7A  }
0x26: {  	[smem:$0x3F9F] =	sst s1;
	(tag) =	ssettag s2;
	_ =	strace s9  }
0x27: {  	s1 =	sld [smem:$0x3FAF]  }
0x28: {  	s2 =	sld [smem:$0x3FB0]  }
0x29: {  	s4 =	sld [smem:$0x3FB2]  }
0x2a: {  	p0 =	seq.s32 s5, $0x0;
	s5 =	sld [smem:$0x3FB3]  }
0x2b: {  	s6 =	sld [smem:$0x3FB4]  }
0x2c: {  	s7 =	sld [smem:$0x3FB5]  }
0x2d: {  	s3 =	simm.s32 $0x108;
	s8 =	sld [smem:$0x3FB6]  }
0x2e: {  	s3 =	simm.s32 @!p0 $0x1082;
	s9 =	sld [smem:$0x3FB7]  }
0x2f: {  	lr =	sadd.s32 s0, s3;
	s0 =	sld [smem:$0x3FAE]  }
0x30: {  	s3 =	sld [smem:$0x3FB1]  }
0x31: {  	[smem:$0x3FBA] =	sst s10  }
0x32: {  	s10 =	sld [smem:$0x3FB8];
	_ =	sdelay $0x3  }
0x33: {  	p0 =	seq.s32 s10, $0x1;
	s10 =	sld [smem:$0x3FBA];
	_ =	sdelay $0x3  }
0x34: {  	[smem:$0x3FBA] =	sst s10  }
0x35: {  	s10 =	sld [smem:$0x3FB9];
	_ =	sdelay $0x3  }
0x36: {  	p1 =	seq.s32 s10, $0x1;
	s10 =	sld [smem:$0x3FBA];
	_ =	sdelay $0x3  }
0x37: {  	[smem:$0x3FBA] =	sst s10  }
0x38: {  	s10 =	sld [smem:$0x3FBB]  }
0x39: {  	_ = 	snop;
	(pc) =	sbr.ind lr, $3  }
0x3a: {  	_ = 	snop  }
0x3b: {  	_ = 	snop  }
0x3c: {  	p2 =	seq.s32 s10, $0x1;
	s10 =	sld [smem:$0x3FBA]  }
0x3d: {  	_ =	shalt  }
0x3e: {  	_ =	shalt  }
0x3f: {  	_ =	shalt  }
0x40: {  	_ =	shalt  }
0x41: {  	_ =	shalt  }
0x42: {  	_ =	shalt  }
0x43: {  	_ =	shalt  }
0x44: {  	_ =	shalt  }
0x45: {  	_ =	shalt  }
0x46: {  	_ =	shalt  }
0x47: {  	_ =	shalt  }
0x48: {  	_ =	shalt  }
0x49: {  	_ =	shalt  }
0x4a: {  	_ =	shalt  }
0x4b: {  	_ =	shalt  }
0x4c: {  	_ =	shalt  }
0x4d: {  	_ =	shalt  }
0x4e: {  	_ =	shalt  }
0x4f: {  	_ =	shalt  }
0x50: {  	_ =	shalt  }
0x51: {  	_ =	shalt  }
0x52: {  	_ =	shalt  }
0x53: {  	_ =	shalt  }
0x54: {  	_ =	shalt  }
0x55: {  	_ =	shalt  }
0x56: {  	_ =	shalt  }
0x57: {  	_ =	shalt  }
0x58: {  	_ =	shalt  }
0x59: {  	_ =	shalt  }
0x5a: {  	_ =	shalt  }
0x5b: {  	_ =	shalt  }
0x5c: {  	_ =	shalt  }
0x5d: {  	_ =	shalt  }
0x5e: {  	_ =	shalt  }
0x5f: {  	_ =	shalt  }
0x60: {  	_ =	shalt  }
0x61: {  	_ =	shalt  }
0x62: {  	_ =	shalt  }
0x63: {  	_ =	shalt  }
0x64: {  	_ =	shalt  }
0x65: {  	_ =	shalt  }
0x66: {  	_ =	shalt  }
0x67: {  	_ =	shalt  }
0x68: {  	_ =	shalt  }
0x69: {  	_ =	shalt  }
0x6a: {  	_ =	shalt  }
0x6b: {  	_ =	shalt  }
0x6c: {  	_ =	shalt  }
0x6d: {  	_ =	shalt  }
0x6e: {  	_ =	shalt  }
0x6f: {  	_ =	shalt  }
0x70: {  	_ =	shalt  }
0x71: {  	_ =	shalt  }
0x72: {  	_ =	shalt  }
0x73: {  	_ =	shalt  }
0x74: {  	_ =	shalt  }
0x75: {  	_ =	shalt  }
0x76: {  	_ =	shalt  }
0x77: {  	_ =	shalt  }
0x78: {  	_ =	shalt  }
0x79: {  	_ =	shalt  }
0x7a: {  	_ =	shalt  }
0x7b: {  	_ =	shalt  }
0x7c: {  	_ =	shalt  }
0x7d: {  	_ =	shalt  }
0x7e: {  	_ =	shalt  }
0x7f: {  	_ =	shalt  }
0x80: {  	_ =	shalt  }
0x81: {  	_ =	shalt  }
0x82: {  	_ =	shalt  }
0x83: {  	_ =	shalt  }
0x84: {  	_ =	shalt  }
0x85: {  	_ =	shalt  }
0x86: {  	_ =	shalt  }
0x87: {  	_ =	shalt  }
.Lfunc_end0:
.L_simem_size_0:
called_computation_lowered:
.L_overlay_start_0:
0x88: {  	s2 =	sld [smem:$0x3FD9]  }
0x89: {  	s3 =	sld [smem:$0x3FFE];
	_ =	sdelay $0x1  }
0x8a: {  	s1 =	srdreg.scid  }
0x8b: {  	s0 =	sand.u32 $0x1, s1  }
0x8c: {  	s18 =	sshll.u32 s0, $0xA;
	s2 =	sadd.s32 s3, s2  }
0x8d: {  	s2 =	sadd.s32 s2, s18  }
0x8e: {  	[smem:$0x3FC6] =	sst s2  }
0x8f: {  	_ = 	snop  }
0x90: {  	s2 =	sld [smem:$0x3FC9]  }
0x91: {  	s19 =	sld [smem:$0x3FC8]  }
0x92: {  	s4 =	sld [smem:$0x3FD0];
	(tm) =	ssettm $0x1  }
0x93: {  	s5 =	sld [smem:$0x3FFB];
	_ =	sdelay $0x3  }
0x94: {  	_ =	strace s5  }
0x95: {  	s5 =	sld [smem:$0x3FFC];
	_ =	sdelay $0x3  }
0x96: {  	_ =	strace s5  }
0x97: {  	s5 =	sld [smem:$0x3FFD];
	_ =	sdelay $0x3  }
0x98: {  	_ =	strace s5  }
0x99: {  	_ =	strace $0x8FFFFFFF  }
0x9a: {  	s20 =	sld [smem:$0x3FDB];
	_ =	sdelay $0x1  }
0x9b: {  	s6 =	simm.s32 $_scs_section_size  }
0x9c: {  	s7 =	simm.s32 $_size__tile_overlayer_lowered;
	s8 =	simm.s32 $_tile_overlayer_lowered  }
0x9d: {  	s23 =	simm.s32 $0x1BFF;
	s22 =	sshll.u32 s8, $0x1;
	s5 =	sadd.s32 s6, s20  }
0x9e: {  	s9 =	simm.s32 $0x0;
	s21 =	sshll.u32 s7, $0x1;
	s7 =	sadd.s32 s22, s5  }
0x9f: {  	[timem:s9], [sflag:s23] =	dma.local [hbm:s7], s21  }
0xa0: {  	_ =	swait.ge [sflag:s23], s21  }
0xa1: {  	s6 =	ssub.s32 $0x0, s21;
	[sflag:s23] =	ssyncset.done $0x0  }
0xa2: {  	[sflag:s23] =	ssyncadd.s32 s6;
	_ =	sdelay $0x1  }
0xa3: {  	s24 =	simm.s32 $0x1B8B  }
0xa4: {  	_ =	swait.ge [sflag:s24], $0x1  }
0xa5: {  	[sflag:s24] =	ssyncset.done $0x0  }
0xa6: {  	s25 =	simm.s32 $0x1B8E;
	[sflag:s24] =	ssyncadd.s32 $0xFFFFFFFF  }
0xa7: {  	s26 =	simm.s32 $execute0_lowered;
	[smem:$0x3FD2] =	sst s25  }
0xa8: {  	s6 =	sshll.u32 s26, $0x1;
	_ =	strace $0x80000046;
	[dreg:$0x1] =	wrdreg $0xFFFFFFFF  }
0xa9: {  	s28 =	simm.s32 $_size_execute0_lowered;
	s5 =	sadd.s32 s5, s6;
	[dreg:$0x0] =	wrdreg $0x0  }
0xaa: {  	s6 =	sshll.u32 s28, $0x1;
	[dreg:$0x2] =	wrdreg s5  }
0xab: {  	[dreg:$0x3] =	wrdreg s6  }
0xac: {  	[dreg:$0x4] =	wrdreg $0xC0  }
0xad: {  	_ =	task [dreg:s9], $0x5FFFF  }
0xae: {  	[dreg:$0x1] =	wrdreg $0xFFFFFFFF  }
0xaf: {  	[dreg:$0x0] =	wrdreg $0x60  }
0xb0: {  	[dreg:$0x2] =	wrdreg s2  }
0xb1: {  	[dreg:$0x3] =	wrdreg s19  }
0xb2: {  	[dreg:$0x4] =	wrdreg s4  }
0xb3: {  	[dreg:$0x5] =	wrdreg $0x9  }
0xb4: {  	_ =	task.clear_ibuf [dreg:s9], $0x6FFFF;
	_ =	strace $0x90000046  }
0xb5: {  	s29 =	simm.s32 $0x9;
	_ =	strace $0x80000048  }
0xb6: {  	_ =	swait.ge [sflag:s29], $0x1  }
0xb7: {  	[sflag:s29] =	ssyncadd.s32 $0xFFFFFFFF  }
0xb8: {  	_ =	strace $0x90000048  }
0xb9: {  	_ =	sfence  }
0xba: {  	s30 =	sld [smem:$0x0];
	_ =	sdelay $0x2  }
0xbb: {  	s31 =	sshll.u32 s1, $0xD;
	s1 =	sshrl.u32 s1, $0x2  }
0xbc: {  	s3 =	sand.u32 $0x4000, s31;
	s1 =	sadd.s32 s1, s30  }
0xbd: {  	s0 =	sor.u32 s3, s0;
	s1 =	sshll.u32 s1, $0x11  }
0xbe: {  	s0 =	sor.u32 s1, s0  }
0xbf: {  	s0 =	sadd.s32 $0x8F2B, s0  }
0xc0: {  	[sflag:s0] =	ssyncadd.remote.s32 $0x1  }
0xc1: {  	_ =	sfence.sel $0xFFFF  }
0xc2: {  	[dreg:$0x0] =	wrdreg $0xFFFFFFFF;
	(pc) =	sbr.abs _section_cstart, $3  }
0xc3: {  	[dreg:$0x1] =	wrdreg $0xFFFFFFFF  }
0xc4: {  	_ =	task.clear_ibuf [dreg:s9], $0x2FFFF;
	_ =	strace $0x9FFFFFFF  }
0xc5: {  	(tm) =	ssettm $0x7FFFFFFF  }
tec
execute0_lowered:
.L_overlay_start_1:
0x0: {  	(tag) =	ssettag $0x1  }
0x1: {  	s0 =	rddreg [dreg:$0x0]  }
0x2: {  	s1 =	rddreg [dreg:$0x1]  }
0x3: {  	s2 =	rddreg [dreg:$0x2]  }
0x4: {  	s4 =	srdreg.scid;
	s3 =	simm.s32 $0x0;
	s8 =	stileid.u32  }
0x5: {  	s16 =	simm.s32 $0x40;
	s20 =	simm.s32 $0x1C00;
	s29 =	simm.s32 $0x9C00  }
0x6: {  	s12 =	simm.s32 $0xDC00;
	s13 =	simm.s32 $0xFC00;
	s14 =	simm.s32 $0x11C00  }
0x7: {  	s10 =	simm.s32 $0x6;
	s11 =	simm.s32 $0x7;
	s15 =	simm.s32 $0x8  }
0x8: {  	s19 =	simm.s32 $0x9;
	s21 =	simm.s32 $0xA;
	s9 =	simm.s32 $0x0  }
0x9: {  	s4 =	sand.u32 $0x1, s4;
	[smem:$0x7FF] =	sst s3;
	s24 =	sshll.u32 s8, $0x8  }
0xa: {  	s25 =	sshll.u32 s8, $0xF;
	s5 =	ssub.s32 $0x2, s4;
	_ =	strace $0x80000047  }
0xb: {  	s7 =	sshll.u32 s4, $0x7;
	s4 =	sshll.u32 s4, $0xE;
	s6 =	sshrl.u32 s5, $0x1  }
0xc: {  	s28 =	sor.u32 s4, s25;
	s25 =	simm.s32 $0x5C00;
	s5 =	ssub.s32 s5, s6  }
0xd: {  	s6 =	sor.u32 s7, s24;
	s31 =	sor.u32 $0x2000, s28;
	s24 =	simm.s32 $0x3C00  }
0xe: {  	s26 =	sadd.s32 s0, s6;
	s6 =	sshll.u32 s6, $0x7;
	s5 =	smax.u32 s5, $0x1  }
.Ltmp0:
0xf: {  	s4 =	sshrl.u32 s31, $0x3;
	[dreg:$0x4] =	wrdreg s26;
	(pc) =	sbr.rel .LBB2_1-.Ltmp0, $4  }
0x10: {  	s0 =	sshrl.u32 s28, $0x3;
	s30 =	sadd.s32 $0x6000, s26;
	[dreg:$0x6] =	wrdreg s5  }
0x11: {  	s8 =	sor.u32 $0x2000, s6;
	s4 =	sadd.s32 s4, s2;
	[dreg:$0x5] =	wrdreg s30  }
0x12: {  	s0 =	sadd.s32 s0, s2;
	s26 =	simm.s32 $0x7C00;
	[dreg:$0x7] =	wrdreg s4  }
0x13: {  	s5 =	simm.s32 $0x5;
	[dreg:$0x8] =	wrdreg s0;
	s4 =	simm.s32 $0xBC00  }
.LBB2_6:
0x14: {  	s0 =	simm.s32 $0xB  }
0x15: {  	_ =	swait.ge [sflag:s0], $0x2000  }
0x16: {  	[sflag:s0] =	ssyncset.done $0x0  }
0x17: {  	s7 =	simm.s32 $0xC;
	[sflag:s0] =	ssyncadd.s32 $0xFFFFE000  }
0x18: {  	_ =	swait.ge [sflag:s7], $0x2000  }
0x19: {  	[sflag:s7] =	ssyncset.done $0x0  }
0x1a: {  	s9 =	simm.s32 $0xD;
	[sflag:s7] =	ssyncadd.s32 $0xFFFFE000  }
0x1b: {  	_ =	swait.ge [sflag:s9], $0x2000  }
0x1c: {  	[sflag:s9] =	ssyncset.done $0x0  }
0x1d: {  	s17 =	simm.s32 $0xE;
	[sflag:s9] =	ssyncadd.s32 $0xFFFFE000  }
0x1e: {  	_ =	swait.ge [sflag:s17], $0x2000  }
0x1f: {  	[sflag:s17] =	ssyncset.done $0x0  }
0x20: {  	s18 =	simm.s32 $0xF;
	[sflag:s17] =	ssyncadd.s32 $0xFFFFE000  }
0x21: {  	_ =	swait.ge [sflag:s18], $0x2000  }
0x22: {  	[sflag:s18] =	ssyncset.done $0x0  }
0x23: {  	s22 =	simm.s32 $0x10;
	[sflag:s18] =	ssyncadd.s32 $0xFFFFE000  }
0x24: {  	_ =	swait.ge [sflag:s22], $0x2000  }
0x25: {  	[sflag:s22] =	ssyncset.done $0x0  }
0x26: {  	s23 =	simm.s32 $0x11;
	[sflag:s22] =	ssyncadd.s32 $0xFFFFE000  }
0x27: {  	_ =	swait.ge [sflag:s23], $0x2000  }
0x28: {  	[sflag:s23] =	ssyncset.done $0x0  }
0x29: {  	s28 =	simm.s32 $0x12;
	[sflag:s23] =	ssyncadd.s32 $0xFFFFE000  }
0x2a: {  	_ =	swait.ge [sflag:s28], $0x2000  }
0x2b: {  	[sflag:s28] =	ssyncset.done $0x0  }
0x2c: {  	s30 =	simm.s32 $0x13;
	[sflag:s28] =	ssyncadd.s32 $0xFFFFE000  }
0x2d: {  	_ =	swait.ge [sflag:s30], $0x2000  }
0x2e: {  	[sflag:s30] =	ssyncset.done $0x0  }
0x2f: {  	s7 =	simm.s32 $0x14;
	[sflag:s30] =	ssyncadd.s32 $0xFFFFE000  }
0x30: {  	_ =	swait.ge [sflag:s7], $0x2000  }
0x31: {  	s9 =	rddreg [dreg:$0x9]  }
0x32: {  	s31 =	rddreg [dreg:$0x6];
	s9 =	sadd.s32 $0x1, s9  }
0x33: {  	p0 =	sne.s32 s9, s31  }
.Ltmp1:
0x34: {  	_ = 	snop;
	(pc) =	sbr.rel @!p0 .LBB2_7-.Ltmp1, $3  }
0x35: {  	_ =	sdelay $0x1  }
0x36: {  	[sflag:s7] =	ssyncset.done $0x0  }
0x37: {  	[sflag:s7] =	ssyncadd.s32 $0xFFFFE000  }
.LBB2_1:
0x38: {  	[dreg:$0x9] =	wrdreg s9  }
0x39: {  	s0 =	rddreg [dreg:$0x4]  }
0x3a: {  	s17 =	simm.s32 $0x400;
	s18 =	simm.s32 $0x8000;
	s22 =	rddreg [dreg:$0x5]  }
0x3b: {  	[tilespmem:s3], [sflag:$0x15] =	stream.strided.gather [hbm4b:s0+s17], $0x1800, s18, s17, $0x38;
	[tilespmem:$0x15C00] =	vst v63  }
.Ltmp2:
0x3c: {  	s23 =	simm.s32 $0x1800;
	s31 =	simm.s32 $0x15;
	(pc) =	sbr.rel .LBB2_2-.Ltmp2, $4  }
0x3d: {  	[tilespmem:s23], [sflag:$0x15] =	stream.linear.gather [hbm4b:s22+s3], $0x100, $0x38;
	[tilespmem:$0x15C00] =	vst v63  }
0x3e: {  	_ =	swait.ge [sflag:s31], $0x1900  }
0x3f: {  	s23 =	simm.s32 $0x200000;
	[sflag:s31] =	ssyncset.done $0x0;
	s28 =	rddreg [dreg:$0x8]  }
0x40: {  	s22 =	simm.s32 $0x800;
	s30 =	rddreg [dreg:$0x7];
	[sflag:s31] =	ssyncadd.s32 $0xFFFFE700  }
.LBB2_4:
0x41: {  	s7 =	simm.s32 $0xB  }
0x42: {  	_ =	swait.ge [sflag:s7], $0x2000  }
0x43: {  	s0 =	sshra.s32 s22, $0x2;
	[sflag:s7] =	ssyncset.done $0x0  }
0x44: {  	s18 =	simm.s32 $0xC;
	s17 =	sadd.s32 $0xFFFFFE00, s0;
	[sflag:s7] =	ssyncadd.s32 $0xFFFFE000  }
0x45: {  	[tilespmem:s20], [sflag:$0x1] =	stream.indirect.gather [hbm4b:s1+s16], $0x80, s17, s16, $0xb8;
	[tilespmem:$0x15C00] =	vst v63  }
0x46: {  	_ =	swait.ge [sflag:s18], $0x2000  }
0x47: {  	[sflag:s18] =	ssyncset.done $0x0  }
0x48: {  	s20 =	sadd.s32 $0xFFFFFE40, s0;
	[sflag:s18] =	ssyncadd.s32 $0xFFFFE000  }
0x49: {  	[tilespmem:s24], [sflag:$0x2] =	stream.indirect.gather [hbm4b:s1+s16], $0x80, s20, s16, $0xb8;
	[tilespmem:$0x15C00] =	vst v63  }
0x4a: {  	s24 =	simm.s32 $0xD  }
0x4b: {  	_ =	swait.ge [sflag:s24], $0x2000  }
0x4c: {  	[sflag:s24] =	ssyncset.done $0x0  }
0x4d: {  	s9 =	sadd.s32 $0xFFFFFE80, s0;
	s18 =	simm.s32 $0xE;
	[sflag:s24] =	ssyncadd.s32 $0xFFFFE000  }
0x4e: {  	[tilespmem:s25], [sflag:$0x3] =	stream.indirect.gather [hbm4b:s1+s16], $0x80, s9, s16, $0xb8;
	[tilespmem:$0x15C00] =	vst v63  }
0x4f: {  	_ =	swait.ge [sflag:s18], $0x2000  }
0x50: {  	[sflag:s18] =	ssyncset.done $0x0  }
0x51: {  	s20 =	sadd.s32 $0xFFFFFEC0, s0;
	s24 =	simm.s32 $0xF;
	[sflag:s18] =	ssyncadd.s32 $0xFFFFE000  }
0x52: {  	[tilespmem:s26], [sflag:$0x4] =	stream.indirect.gather [hbm4b:s1+s16], $0x80, s20, s16, $0xb8;
	[tilespmem:$0x15C00] =	vst v63  }
0x53: {  	_ =	swait.ge [sflag:s24], $0x2000  }
0x54: {  	[sflag:s24] =	ssyncset.done $0x0  }
0x55: {  	s25 =	sadd.s32 $0xFFFFFF00, s0;
	s26 =	simm.s32 $0x10;
	[sflag:s24] =	ssyncadd.s32 $0xFFFFE000  }
0x56: {  	[tilespmem:s29], [sflag:$0x5] =	stream.indirect.gather [hbm4b:s1+s16], $0x80, s25, s16, $0xb8;
	[tilespmem:$0x15C00] =	vst v63  }
0x57: {  	_ =	swait.ge [sflag:s26], $0x2000  }
0x58: {  	[sflag:s26] =	ssyncset.done $0x0  }
0x59: {  	s17 =	simm.s32 $0x11;
	s9 =	sadd.s32 $0xFFFFFF40, s0;
	[sflag:s26] =	ssyncadd.s32 $0xFFFFE000  }
0x5a: {  	[tilespmem:s4], [sflag:$0x6] =	stream.indirect.gather [hbm4b:s1+s16], $0x80, s9, s16, $0xb8;
	[tilespmem:$0x15C00] =	vst v63  }
0x5b: {  	_ =	swait.ge [sflag:s17], $0x2000  }
0x5c: {  	[sflag:s17] =	ssyncset.done $0x0  }
0x5d: {  	s18 =	sadd.s32 $0xFFFFFF80, s0;
	s20 =	simm.s32 $0x12;
	[sflag:s17] =	ssyncadd.s32 $0xFFFFE000  }
0x5e: {  	[tilespmem:s12], [sflag:$0x7] =	stream.indirect.gather [hbm4b:s1+s16], $0x80, s18, s16, $0xb8;
	[tilespmem:$0x15C00] =	vst v63  }
0x5f: {  	s31 =	simm.s32 $0x7C00;
	_ =	swait.ge [sflag:s20], $0x2000  }
0x60: {  	s7 =	simm.s32 $0x11C00;
	s24 =	sadd.s32 $0xFFFFFFC0, s0;
	[sflag:s20] =	ssyncset.done $0x0  }
0x61: {  	s25 =	simm.s32 $0x13;
	s29 =	simm.s32 $0x5C00;
	[sflag:s20] =	ssyncadd.s32 $0xFFFFE000  }
0x62: {  	[tilespmem:s13], [sflag:$0x8] =	stream.indirect.gather [hbm4b:s1+s16], $0x80, s24, s16, $0xb8;
	[tilespmem:$0x15C00] =	vst v63  }
0x63: {  	s26 =	simm.s32 $0x14;
	s4 =	simm.s32 $0x9C00;
	_ =	swait.ge [sflag:s25], $0x2000  }
0x64: {  	s17 =	sadd.s32 $0xFFF80000, s23;
	s18 =	sadd.s32 $0xFFF00000, s23;
	[sflag:s25] =	ssyncset.done $0x0  }
0x65: {  	s12 =	simm.s32 $0xBC00;
	s20 =	sadd.s32 $0xFFE80000, s23;
	[sflag:s25] =	ssyncadd.s32 $0xFFFFE000  }
0x66: {  	[tilespmem:s14], [sflag:$0x9] =	stream.indirect.gather [hbm4b:s1+s16], $0x80, s0, s16, $0xb8;
	[tilespmem:$0x15C00] =	vst v63  }
0x67: {  	s24 =	simm.s32 $0x1C00;
	s13 =	simm.s32 $0xDC00;
	_ =	swait.ge [sflag:s26], $0x2000  }
0x68: {  	s25 =	smov.u32 s22;
	s14 =	simm.s32 $0xFC00;
	[sflag:s26] =	ssyncset.done $0x0  }
0x69: {  	s0 =	smov.u32 s23;
	[sflag:s26] =	ssyncadd.s32 $0xFFFFE000;
	s26 =	simm.s32 $0x3C00  }
.LBB2_5:
0x6a: {  	s25 =	sshra.s32 s25, $0x2  }
0x6b: {  	s9 =	simm.s32 $0x13C00;
	s25 =	sadd.s32 $0x40, s25  }
0x6c: {  	[tilespmem:s9], [sflag:$0xA] =	stream.indirect.gather [hbm4b:s1+s16], $0x80, s25, s16, $0xb8;
	[tilespmem:$0x15C00] =	vst v63  }
0x6d: {  	s25 =	simm.s32 $0x1  }
0x6e: {  	_ =	swait.ge [sflag:s25], $0x2000  }
0x6f: {  	[sflag:s25] =	ssyncset.done $0x0  }
0x70: {  	[sflag:s25] =	ssyncadd.s32 $0xFFFFE000;
	s25 =	simm.s32 $0x2  }
0x71: {  	[hbm4b:s28+s3] =	stream.linear.scatter [tilespmem:s24], [sflag:$0xB], $0x2000, $0x38;
	[tilespmem:$0x15C00] =	vst v63  }
0x72: {  	_ =	swait.ge [sflag:s25], $0x2000  }
0x73: {  	[sflag:s25] =	ssyncset.done $0x0  }
0x74: {  	s24 =	simm.s32 $0x3;
	[sflag:s25] =	ssyncadd.s32 $0xFFFFE000  }
0x75: {  	[hbm4b:s30+s3] =	stream.linear.scatter [tilespmem:s26], [sflag:$0xC], $0x2000, $0x38;
	[tilespmem:$0x15C00] =	vst v63  }
0x76: {  	s26 =	sor.u32 s6, s20;
	_ =	swait.ge [sflag:s24], $0x2000  }
0x77: {  	s25 =	sshrl.u32 s26, $0x3;
	[sflag:s24] =	ssyncset.done $0x0  }
0x78: {  	s25 =	sadd.s32 s2, s25;
	[sflag:s24] =	ssyncadd.s32 $0xFFFFE000  }
0x79: {  	[hbm4b:s25+s3] =	stream.linear.scatter [tilespmem:s29], [sflag:$0xD], $0x2000, $0x38;
	[tilespmem:$0x15C00] =	vst v63  }
0x7a: {  	s25 =	simm.s32 $0x4  }
0x7b: {  	s26 =	sor.u32 s8, s20;
	_ =	swait.ge [sflag:s25], $0x2000  }
0x7c: {  	s20 =	sshrl.u32 s26, $0x3;
	[sflag:s25] =	ssyncset.done $0x0  }
0x7d: {  	s20 =	sadd.s32 s2, s20;
	[sflag:s25] =	ssyncadd.s32 $0xFFFFE000  }
0x7e: {  	[hbm4b:s20+s3] =	stream.linear.scatter [tilespmem:s31], [sflag:$0xE], $0x2000, $0x38;
	[tilespmem:$0x15C00] =	vst v63  }
0x7f: {  	s31 =	sor.u32 s6, s18;
	_ =	swait.ge [sflag:s5], $0x2000  }
0x80: {  	s20 =	sshrl.u32 s31, $0x3;
	[sflag:s5] =	ssyncset.done $0x0  }
0x81: {  	s20 =	sadd.s32 s2, s20;
	[sflag:s5] =	ssyncadd.s32 $0xFFFFE000  }
0x82: {  	[hbm4b:s20+s3] =	stream.linear.scatter [tilespmem:s4], [sflag:$0xF], $0x2000, $0x38;
	[tilespmem:$0x15C00] =	vst v63  }
0x83: {  	s20 =	sor.u32 s8, s18;
	_ =	swait.ge [sflag:s10], $0x2000  }
0x84: {  	s18 =	sshrl.u32 s20, $0x3;
	[sflag:s10] =	ssyncset.done $0x0  }
0x85: {  	s18 =	sadd.s32 s2, s18;
	[sflag:s10] =	ssyncadd.s32 $0xFFFFE000  }
0x86: {  	[hbm4b:s18+s3] =	stream.linear.scatter [tilespmem:s12], [sflag:$0x10], $0x2000, $0x38;
	[tilespmem:$0x15C00] =	vst v63  }
0x87: {  	s22 =	sadd.s32 $0xA00, s22;
	s24 =	sor.u32 s6, s17;
	_ =	swait.ge [sflag:s11], $0x2000  }
0x88: {  	s23 =	sadd.s32 $0x280000, s23;
	s18 =	sshrl.u32 s24, $0x3;
	[sflag:s11] =	ssyncset.done $0x0  }
0x89: {  	p0 =	sne.s32 s22, $0x6C00;
	s18 =	sadd.s32 s2, s18;
	[sflag:s11] =	ssyncadd.s32 $0xFFFFE000  }
0x8a: {  	[hbm4b:s18+s3] =	stream.linear.scatter [tilespmem:s13], [sflag:$0x11], $0x2000, $0x38;
	[tilespmem:$0x15C00] =	vst v63  }
0x8b: {  	s28 =	sadd.s32 $0x50000, s28;
	s25 =	sor.u32 s8, s17;
	_ =	swait.ge [sflag:s15], $0x2000  }
0x8c: {  	s30 =	sadd.s32 $0x50000, s30;
	s17 =	sshrl.u32 s25, $0x3;
	[sflag:s15] =	ssyncset.done $0x0  }
0x8d: {  	s26 =	sor.u32 s6, s0;
	s17 =	sadd.s32 s2, s17;
	[sflag:s15] =	ssyncadd.s32 $0xFFFFE000  }
0x8e: {  	[hbm4b:s17+s3] =	stream.linear.scatter [tilespmem:s14], [sflag:$0x12], $0x2000, $0x38;
	[tilespmem:$0x15C00] =	vst v63  }
0x8f: {  	s29 =	simm.s32 $0x9C00;
	s25 =	simm.s32 $0x5C00;
	_ =	swait.ge [sflag:s19], $0x2000  }
0x90: {  	s31 =	sor.u32 s8, s0;
	s17 =	sshrl.u32 s26, $0x3;
	[sflag:s19] =	ssyncset.done $0x0  }
0x91: {  	s0 =	sshrl.u32 s31, $0x3;
	s17 =	sadd.s32 s2, s17;
	[sflag:s19] =	ssyncadd.s32 $0xFFFFE000  }
0x92: {  	[hbm4b:s17+s3] =	stream.linear.scatter [tilespmem:s7], [sflag:$0x13], $0x2000, $0x38;
	[tilespmem:$0x15C00] =	vst v63  }
.Ltmp3:
0x93: {  	s0 =	sadd.s32 s2, s0;
	s4 =	simm.s32 $0xBC00;
	(pc) =	sbr.rel @!p0 .LBB2_6-.Ltmp3, $4  }
0x94: {  	s20 =	simm.s32 $0x1C00;
	s24 =	simm.s32 $0x3C00;
	_ =	swait.ge [sflag:s21], $0x2000  }
0x95: {  	s12 =	simm.s32 $0xDC00;
	s13 =	simm.s32 $0xFC00;
	[sflag:s21] =	ssyncset.done $0x0  }
0x96: {  	s26 =	simm.s32 $0x7C00;
	s14 =	simm.s32 $0x11C00;
	[sflag:s21] =	ssyncadd.s32 $0xFFFFE000  }
0x97: {  	[hbm4b:s0+s3] =	stream.linear.scatter [tilespmem:s9], [sflag:$0x14], $0x2000, $0x38;
	[tilespmem:$0x15C00] =	vst v63  }
.LBB2_2:
0x98: {  	p0 =	sne.s32 s22, $0x800  }
.Ltmp4:
0x99: {  	_ = 	snop;
	(pc) =	sbr.rel @p0 .LBB2_4-.Ltmp4, $1  }
0x9a: {  	_ =	sdelay $0x3  }
0x9b: {  	[tilespmem:s20], [sflag:$0x1] =	stream.indirect.gather [hbm4b:s1+s16], $0x80, s3, s16, $0xb8;
	[tilespmem:$0x15C00] =	vst v63  }
0x9c: {  	_ = 	snop  }
0x9d: {  	[tilespmem:s24], [sflag:$0x2] =	stream.indirect.gather [hbm4b:s1+s16], $0x80, s16, s16, $0xb8;
	[tilespmem:$0x15C00] =	vst v63  }
0x9e: {  	s0 =	simm.s32 $0x80  }
0x9f: {  	[tilespmem:s25], [sflag:$0x3] =	stream.indirect.gather [hbm4b:s1+s16], $0x80, s0, s16, $0xb8;
	[tilespmem:$0x15C00] =	vst v63  }
0xa0: {  	s17 =	simm.s32 $0xC0;
	s18 =	simm.s32 $0x100;
	s20 =	simm.s32 $0x140  }
0xa1: {  	[tilespmem:s26], [sflag:$0x4] =	stream.indirect.gather [hbm4b:s1+s16], $0x80, s17, s16, $0xb8;
	[tilespmem:$0x15C00] =	vst v63  }
0xa2: {  	s31 =	simm.s32 $0x7C00;
	s7 =	simm.s32 $0x11C00;
	s24 =	simm.s32 $0x180  }
0xa3: {  	[tilespmem:s29], [sflag:$0x5] =	stream.indirect.gather [hbm4b:s1+s16], $0x80, s18, s16, $0xb8;
	[tilespmem:$0x15C00] =	vst v63  }
0xa4: {  	s25 =	simm.s32 $0x1C0;
	s0 =	simm.s32 $0x200000;
	s26 =	simm.s32 $0x200  }
0xa5: {  	[tilespmem:s4], [sflag:$0x6] =	stream.indirect.gather [hbm4b:s1+s16], $0x80, s20, s16, $0xb8;
	[tilespmem:$0x15C00] =	vst v63  }
0xa6: {  	s17 =	simm.s32 $0x180000;
	s18 =	simm.s32 $0x100000;
	s29 =	simm.s32 $0x5C00  }
0xa7: {  	[tilespmem:s12], [sflag:$0x7] =	stream.indirect.gather [hbm4b:s1+s16], $0x80, s24, s16, $0xb8;
	[tilespmem:$0x15C00] =	vst v63  }
.Ltmp5:
0xa8: {  	s20 =	simm.s32 $0x80000;
	s4 =	simm.s32 $0x9C00;
	(pc) =	sbr.rel .LBB2_5-.Ltmp5, $4  }
0xa9: {  	[tilespmem:s13], [sflag:$0x8] =	stream.indirect.gather [hbm4b:s1+s16], $0x80, s25, s16, $0xb8;
	[tilespmem:$0x15C00] =	vst v63  }
0xaa: {  	s24 =	simm.s32 $0x1C00;
	s12 =	simm.s32 $0xBC00;
	s13 =	simm.s32 $0xDC00  }
0xab: {  	[tilespmem:s14], [sflag:$0x9] =	stream.indirect.gather [hbm4b:s1+s16], $0x80, s26, s16, $0xb8;
	[tilespmem:$0x15C00] =	vst v63  }
0xac: {  	s25 =	simm.s32 $0x800;
	s26 =	simm.s32 $0x3C00;
	s14 =	simm.s32 $0xFC00  }
.LBB2_7:
0xad: {  	_ =	sfence.sel $0x180000  }
0xae: {  	[bflag:$0x0] =	sbarrier.arrive $0xFFFF  }
0xaf: {  	_ =	strace $0x90000047  }
0xb0: {  	s0 =	stileid.u32;
	[bflag:$0x2] =	sbarrier.arrive $0xFFFF  }
0xb1: {  	p0 =	sne.s32 s0, $0x0;
	s0 =	rddreg [dreg:$0x3]  }
0xb2: {  	s0 =	sadd.s32 @!p0 $0x100000, s0  }
0xb3: {  	[sflag:s0] =	ssyncadd.tile.s32 @!p0 $0x1;
	_ =	shalt  }
.Lfunc_end2:
_tile_overlayer_lowered:
.L_overlay_start_2:
0xb4: {  	(tag) =	ssettag $0x2  }
0xb5: {  	s0 =	rddreg [dreg:$0x0];
	s2 =	stileid.u32  }
0xb6: {  	s1 =	rddreg [dreg:$0x1];
	p0 =	sne.s32 s2, $0x0  }
0xb7: {  	s3 =	rddreg [dreg:$0x2];
	[bflag:$0x3] =	sbarrier.arrive $0xFFFF;
	s2 =	simm.s32 @!p0 $0x1C15  }
0xb8: {  	[timem:s3], [sflag:s2] =	dma.local @!p0 [hbm:s0], s1  }
0xb9: {  	s0 =	simm.s32 @!p0 $0x15  }
0xba: {  	_ =	swait.ge @!p0 [sflag:s0], s1  }
0xbb: {  	s1 =	ssub.s32 @!p0 $0x0, s1;
	[sflag:s0] =	ssyncset.done @!p0 $0x0  }
0xbc: {  	[sflag:s0] =	ssyncadd.s32 @!p0 s1  }
0xbd: {  	[bflag:$0x3] =	sbarrier.arrive $0xFFFF  }
0xbe: {  	_ =	shalt  }

</sc_bundles>
